<compile_context>
chip_gen: v7x
topology: tpu7x:2x2x1
jax: 0.10.2.dev20260603
libtpu: 0.0.44.dev20260713+nightly
codegen_flags: <defaults>
</compile_context>

<pallas_src>
import functools

import jax
import jax.numpy as jnp
from jax import lax
from jax.experimental import pallas as pl
from jax.experimental.pallas import tpu as pltpu
from jax.experimental.pallas import tpu_sc as plsc

N_NODES = 10000
N_EDGES = 320000
H = 128
HH = H // 2

NC = 2
NS = 16
E_PER_W = N_EDGES // NS
C = 80
N_CHUNKS = E_PER_W // C
ROWS_PER_TILE = 624
TAIL_ROWS = N_NODES - NS * ROWS_PER_TILE
DCOLS = 16

_LANES = 16


def _tc_pre_body(x_ref, w_ref, b_ref, pa_ref, qa_ref, pb_ref, qb_ref):
    x = x_ref[...]
    p = jnp.dot(x, w_ref[0:H, :], preferred_element_type=jnp.float32) + b_ref[...]
    q = jnp.dot(x, w_ref[H : 2 * H, :], preferred_element_type=jnp.float32)
    pa_ref[...] = p[:, 0:HH]
    pb_ref[...] = p[:, HH:H]
    qa_ref[...] = q[:, 0:HH]
    qb_ref[...] = q[:, HH:H]


def _tc_pre(x, eW1, eb1):
    blk = 1000
    grid = N_NODES // blk
    half = jax.ShapeDtypeStruct((N_NODES, HH), jnp.float32)
    return pl.pallas_call(
        _tc_pre_body,
        grid=(grid,),
        in_specs=[
            pl.BlockSpec((blk, H), lambda i: (i, 0)),
            pl.BlockSpec((2 * H, H), lambda i: (0, 0)),
            pl.BlockSpec((1, H), lambda i: (0, 0)),
        ],
        out_specs=[pl.BlockSpec((blk, HH), lambda i: (i, 0))] * 4,
        out_shape=[half] * 4,
    )(x, eW1, eb1.reshape(1, H))


def _sc_edge_body(
    pa_hbm, qa_hbm, pb_hbm, qb_hbm, src_hbm, dst_hbm,
    s_out, d_out,
    si_v, di_v, p_v, q_v, ones_v, dz_v, s_sh, d_sh, sem_p, sem_q,
):
    cid = lax.axis_index("c")
    sid = lax.axis_index("s")

    zeros16 = jnp.zeros((_LANES,), jnp.float32)

    def fill_z(i, _):
        for j in range(HH // _LANES):
            p_v[i, pl.ds(j * _LANES, _LANES)] = zeros16
        ones_v[i, pl.ds(0, _LANES)] = jnp.full((_LANES,), 1.0, jnp.float32)
        dz_v[i, pl.ds(0, _LANES)] = zeros16
        return 0

    lax.fori_loop(0, C, fill_z, 0)

    row0 = sid * ROWS_PER_TILE
    for k in range(ROWS_PER_TILE // C):
        pltpu.sync_copy(p_v, s_sh.at[pl.ds(row0 + k * C, C)])
        pltpu.sync_copy(dz_v, d_sh.at[pl.ds(row0 + k * C, C)])
    rem0 = row0 + (ROWS_PER_TILE // C) * C
    rem = ROWS_PER_TILE - (ROWS_PER_TILE // C) * C
    pltpu.sync_copy(p_v.at[pl.ds(0, rem)], s_sh.at[pl.ds(rem0, rem)])
    pltpu.sync_copy(dz_v.at[pl.ds(0, rem)], d_sh.at[pl.ds(rem0, rem)])

    @pl.when(sid == NS - 1)
    def _zero_tail():
        tail0 = NS * ROWS_PER_TILE
        pltpu.sync_copy(p_v.at[pl.ds(0, TAIL_ROWS)], s_sh.at[pl.ds(tail0, TAIL_ROWS)])
        pltpu.sync_copy(dz_v.at[pl.ds(0, TAIL_ROWS)], d_sh.at[pl.ds(tail0, TAIL_ROWS)])

    plsc.subcore_barrier()

    def sweep(p_hbm, q_hbm, do_deg):
        def chunk(k, _):
            base = sid * E_PER_W + k * C
            pltpu.sync_copy(src_hbm.at[pl.ds(base, C)], si_v)
            pltpu.sync_copy(dst_hbm.at[pl.ds(base, C)], di_v)
            cp_p = pltpu.async_copy(p_hbm.at[si_v], p_v, sem_p)
            cp_q = pltpu.async_copy(q_hbm.at[di_v], q_v, sem_q)
            cp_p.wait()
            cp_q.wait()

            def relu_row(i, _):
                for j in range(HH // _LANES):
                    s = pl.ds(j * _LANES, _LANES)
                    q_v[i, s] = jnp.maximum(p_v[i, s] + q_v[i, s], 0.0)
                return 0

            lax.fori_loop(0, C, relu_row, 0)
            pltpu.sync_copy(q_v, s_sh.at[di_v], add=True)
            if do_deg:
                pltpu.sync_copy(ones_v, d_sh.at[di_v], add=True)
            return 0

        lax.fori_loop(0, N_CHUNKS, chunk, 0)

    @pl.when(cid == 0)
    def _sweep_a():
        sweep(pa_hbm, qa_hbm, True)

    @pl.when(cid == 1)
    def _sweep_b():
        sweep(pb_hbm, qb_hbm, False)

    plsc.subcore_barrier()
    pltpu.sync_copy(
        s_sh.at[pl.ds(row0, ROWS_PER_TILE)],
        s_out.at[cid].at[pl.ds(row0, ROWS_PER_TILE)],
    )

    @pl.when(cid == 0)
    def _write_deg():
        pltpu.sync_copy(
            d_sh.at[pl.ds(row0, ROWS_PER_TILE)],
            d_out.at[pl.ds(row0, ROWS_PER_TILE)],
        )

    @pl.when(sid == NS - 1)
    def _write_tail():
        tail0 = NS * ROWS_PER_TILE
        pltpu.sync_copy(
            s_sh.at[pl.ds(tail0, TAIL_ROWS)],
            s_out.at[cid].at[pl.ds(tail0, TAIL_ROWS)],
        )

        @pl.when(cid == 0)
        def _write_deg_tail():
            pltpu.sync_copy(
                d_sh.at[pl.ds(tail0, TAIL_ROWS)],
                d_out.at[pl.ds(tail0, TAIL_ROWS)],
            )


@functools.partial(
    pl.kernel,
    out_type=[
        jax.ShapeDtypeStruct((NC, N_NODES, HH), jnp.float32),
        jax.ShapeDtypeStruct((N_NODES, DCOLS), jnp.float32),
    ],
    mesh=plsc.VectorSubcoreMesh(core_axis_name="c", subcore_axis_name="s"),
    compiler_params=pltpu.CompilerParams(use_tc_tiling_on_sc=False),
    scratch_types=[
        pltpu.VMEM((C,), jnp.int32),
        pltpu.VMEM((C,), jnp.int32),
        pltpu.VMEM((C, HH), jnp.float32),
        pltpu.VMEM((C, HH), jnp.float32),
        pltpu.VMEM((C, DCOLS), jnp.float32),
        pltpu.VMEM((C, DCOLS), jnp.float32),
        pltpu.VMEM_SHARED((N_NODES, HH), jnp.float32),
        pltpu.VMEM_SHARED((N_NODES, DCOLS), jnp.float32),
        pltpu.SemaphoreType.DMA,
        pltpu.SemaphoreType.DMA,
    ],
)
def _sc_edge(*args):
    _sc_edge_body(*args)


def _tc_node_body(
    s_ref, d_ref, x_ref, eW2_ref, eb2_ref, nW1_ref, nb1_ref, nW2_ref, nb2_ref,
    out_ref,
):
    w1b = nW1_ref[H : 2 * H, :]
    m = jnp.dot(eW2_ref[...], w1b, preferred_element_type=jnp.float32)
    v = jnp.dot(eb2_ref[...], w1b, preferred_element_type=jnp.float32)
    s = jnp.concatenate([s_ref[0], s_ref[1]], axis=-1)
    deg = d_ref[...][:, 0:1]
    x = x_ref[...]
    g = (
        jnp.dot(x, nW1_ref[0:H, :], preferred_element_type=jnp.float32)
        + jnp.dot(s, m, preferred_element_type=jnp.float32)
        + deg * v
        + nb1_ref[...]
    )
    g = jnp.maximum(g, 0.0)
    out_ref[...] = (
        jnp.dot(g, nW2_ref[...], preferred_element_type=jnp.float32) + nb2_ref[...]
    )


def _tc_node(S, D, x, eW2, eb2, nW1, nb1, nW2, nb2):
    blk = 1000
    grid = N_NODES // blk
    full = lambda r, c: pl.BlockSpec((r, c), lambda i: (0, 0))
    return pl.pallas_call(
        _tc_node_body,
        grid=(grid,),
        in_specs=[
            pl.BlockSpec((NC, blk, HH), lambda i: (0, i, 0)),
            pl.BlockSpec((blk, DCOLS), lambda i: (i, 0)),
            pl.BlockSpec((blk, H), lambda i: (i, 0)),
            full(H, H),
            full(1, H),
            full(2 * H, H),
            full(1, H),
            full(H, H),
            full(1, H),
        ],
        out_specs=pl.BlockSpec((blk, H), lambda i: (i, 0)),
        out_shape=jax.ShapeDtypeStruct((N_NODES, H), jnp.float32),
    )(
        S, D, x, eW2, eb2.reshape(1, H), nW1, nb1.reshape(1, H), nW2,
        nb2.reshape(1, H),
    )


def kernel(x_nodes, edge_index, eW1, eb1, eW2, eb2, nW1, nb1, nW2, nb2):
    src = edge_index[0]
    dst = edge_index[1]
    pa, qa, pb, qb = _tc_pre(x_nodes, eW1, eb1)
    S, D = _sc_edge(pa, qa, pb, qb, src, dst)
    return _tc_node(S, D, x_nodes, eW2, eb2, nW1, nb1, nW2, nb2)

# --- scband reference (transcript-rebuilt; emitter-appended) ---
"""Pipeline reference for scband-interaction-network-6631429505036 (READ-ONLY COPY).

The authoritative reference and input builder live on the scoring server;
editing this copy changes nothing except your own understanding.
"""

import jax, jax.numpy as jnp
import numpy as np

N_NODES = 10000
N_EDGES = 320000
HIDDEN = 128


def _init_linear(key, fan_in, fan_out):
    kw, kb = jax.random.split(key)
    bound = 1.0 / np.sqrt(fan_in)
    W = jax.random.uniform(kw, (fan_in, fan_out), minval=-bound, maxval=bound, dtype=jnp.float32)
    b = jax.random.uniform(kb, (fan_out,), minval=-bound, maxval=bound, dtype=jnp.float32)
    return W, b


def setup_inputs(seed: int = 0) -> dict:
    key = jax.random.key(seed)
    ks = jax.random.split(key, 6)
    x_nodes = jax.random.normal(ks[0], (N_NODES, HIDDEN), dtype=jnp.float32)
    edge_index = jax.random.randint(ks[1], (2, N_EDGES), 0, N_NODES, dtype=jnp.int32)
    # edge model MLP: [2*hidden -> hidden -> hidden] with ReLU between
    eW1, eb1 = _init_linear(ks[2], 2 * HIDDEN, HIDDEN)
    eW2, eb2 = _init_linear(ks[3], HIDDEN, HIDDEN)
    # node model MLP: [2*hidden -> hidden -> hidden] with ReLU between
    nW1, nb1 = _init_linear(ks[4], 2 * HIDDEN, HIDDEN)
    nW2, nb2 = _init_linear(ks[5], HIDDEN, HIDDEN)
    return {
        "x_nodes": x_nodes,
        "edge_index": edge_index,
        "eW1": eW1, "eb1": eb1, "eW2": eW2, "eb2": eb2,
        "nW1": nW1, "nb1": nb1, "nW2": nW2, "nb2": nb2,
    }


def reference(x_nodes, edge_index, eW1, eb1, eW2, eb2, nW1, nb1, nW2, nb2):
    src_idx = edge_index[0]
    dst_idx = edge_index[1]
    # 1. edge update: message from concatenated (src, dst) node features
    src_nodes = jnp.take(x_nodes, src_idx, axis=0)
    dst_nodes = jnp.take(x_nodes, dst_idx, axis=0)
    message_input = jnp.concatenate([src_nodes, dst_nodes], axis=-1)
    h = jax.nn.relu(message_input @ eW1 + eb1)
    messages = h @ eW2 + eb2
    # 2. scatter-sum aggregation at destination nodes
    aggregated = jax.ops.segment_sum(messages, dst_idx, num_segments=N_NODES)
    # 3. node update from concatenated (x, aggregated messages)
    node_input = jnp.concatenate([x_nodes, aggregated], axis=-1)
    g = jax.nn.relu(node_input @ nW1 + nb1)
    updated = g @ nW2 + nb2
    return updated

if __name__ == "__main__":
    import jax
    _d = setup_inputs()
    print(jax.jit(kernel)(*tuple(_d.values())))

</pallas_src>

<mosaic_0001>
#map = affine_map<(d0, d1) -> (0, 0)>
#map1 = affine_map<(d0, d1) -> (0)>
#map2 = affine_map<(d0, d1) -> (0, 0, 0)>
module attributes {stable_mosaic.version = 14 : i64} {
  func.func @_sc_edge(%arg0: i32, %arg1: i32, %arg2: memref<10000x64xf32, #tpu.memory_space<hbm>>, %arg3: memref<10000x64xf32, #tpu.memory_space<hbm>>, %arg4: memref<10000x64xf32, #tpu.memory_space<hbm>>, %arg5: memref<10000x64xf32, #tpu.memory_space<hbm>>, %arg6: memref<320000xi32, #tpu.memory_space<hbm>>, %arg7: memref<320000xi32, #tpu.memory_space<hbm>>, %arg8: memref<2x10000x64xf32, #tpu.memory_space<hbm>>, %arg9: memref<10000x16xf32, #tpu.memory_space<hbm>>, %arg10: memref<80xi32, #tpu.memory_space<vmem>>, %arg11: memref<80xi32, #tpu.memory_space<vmem>>, %arg12: memref<80x64xf32, #tpu.memory_space<vmem>>, %arg13: memref<80x64xf32, #tpu.memory_space<vmem>>, %arg14: memref<80x16xf32, #tpu.memory_space<vmem>>, %arg15: memref<80x16xf32, #tpu.memory_space<vmem>>, %arg16: memref<10000x64xf32, #tpu.memory_space<vmem_shared>>, %arg17: memref<10000x16xf32, #tpu.memory_space<vmem_shared>>, %arg18: memref<!tpu.dma_semaphore, #tpu.memory_space<semaphore_mem>>, %arg19: memref<!tpu.dma_semaphore, #tpu.memory_space<semaphore_mem>>) attributes {dimension_semantics = [#tpu.dimension_semantics<core_parallel>, #tpu.dimension_semantics<subcore_parallel>], iteration_bounds = array<i64: 2, 16>, scalar_prefetch = 0 : i64, scratch_operands = 10 : i64, tpu.core_type = #tpu.core_type<sc_vector_subcore>, window_params = [{transform_indices = #map}, {transform_indices = #map}, {transform_indices = #map}, {transform_indices = #map}, {transform_indices = #map1}, {transform_indices = #map1}, {transform_indices = #map2}, {transform_indices = #map}]} {
    %broadcast_in_dim3A = arith.constant 0.000000e+00 : f32
    %broadcast_in_dim3A_0 = vector.broadcast %broadcast_in_dim3A : f32 to vector<16xf32>
    %scan3A = arith.constant 0 : i32
    %scan3A_1 = arith.constant 0 : i32
    %scan3A_2 = arith.constant 80 : i32
    %scan3A_3 = arith.addi %scan3A_1, %scan3A_2 : i32
    %scan3A_4 = arith.constant 1 : i32
    %scan3A_5 = scf.for %scan3A_60 = %scan3A_1 to %scan3A_3 step %scan3A_4 iter_args(%scan3A_61 = %scan3A) -> (i32)  : i32 {
      %swap3A = arith.index_cast %scan3A_60 : i32 to index
      %swap3A_62 = arith.constant 0 : index
      %swap3A_63 = tpu.vector_load %arg12[%swap3A, %swap3A_62] {strides = array<i32>} : memref<80x64xf32, #tpu.memory_space<vmem>>, vector<1x16xf32>,
      %swap3A_64 = vector.shape_cast %swap3A_63 : vector<1x16xf32> to vector<16xf32>
      %swap3A_65 = vector.shape_cast %broadcast_in_dim3A_0 : vector<16xf32> to vector<1x16xf32>
      tpu.vector_store %arg12[%swap3A, %swap3A_62], %swap3A_65 {strides = array<i32>} : memref<80x64xf32, #tpu.memory_space<vmem>>, vector<1x16xf32>,
      %swap3A_66 = arith.index_cast %scan3A_60 : i32 to index
      %swap3A_67 = arith.constant 16 : index
      %swap3A_68 = tpu.vector_load %arg12[%swap3A_66, %swap3A_67] {strides = array<i32>} : memref<80x64xf32, #tpu.memory_space<vmem>>, vector<1x16xf32>,
      %swap3A_69 = vector.shape_cast %swap3A_68 : vector<1x16xf32> to vector<16xf32>
      %swap3A_70 = vector.shape_cast %broadcast_in_dim3A_0 : vector<16xf32> to vector<1x16xf32>
      tpu.vector_store %arg12[%swap3A_66, %swap3A_67], %swap3A_70 {strides = array<i32>} : memref<80x64xf32, #tpu.memory_space<vmem>>, vector<1x16xf32>,
      %swap3A_71 = arith.index_cast %scan3A_60 : i32 to index
      %swap3A_72 = arith.constant 32 : index
      %swap3A_73 = tpu.vector_load %arg12[%swap3A_71, %swap3A_72] {strides = array<i32>} : memref<80x64xf32, #tpu.memory_space<vmem>>, vector<1x16xf32>,
      %swap3A_74 = vector.shape_cast %swap3A_73 : vector<1x16xf32> to vector<16xf32>
      %swap3A_75 = vector.shape_cast %broadcast_in_dim3A_0 : vector<16xf32> to vector<1x16xf32>
      tpu.vector_store %arg12[%swap3A_71, %swap3A_72], %swap3A_75 {strides = array<i32>} : memref<80x64xf32, #tpu.memory_space<vmem>>, vector<1x16xf32>,
      %swap3A_76 = arith.index_cast %scan3A_60 : i32 to index
      %swap3A_77 = arith.constant 48 : index
      %swap3A_78 = tpu.vector_load %arg12[%swap3A_76, %swap3A_77] {strides = array<i32>} : memref<80x64xf32, #tpu.memory_space<vmem>>, vector<1x16xf32>,
      %swap3A_79 = vector.shape_cast %swap3A_78 : vector<1x16xf32> to vector<16xf32>
      %swap3A_80 = vector.shape_cast %broadcast_in_dim3A_0 : vector<16xf32> to vector<1x16xf32>
      tpu.vector_store %arg12[%swap3A_76, %swap3A_77], %swap3A_80 {strides = array<i32>} : memref<80x64xf32, #tpu.memory_space<vmem>>, vector<1x16xf32>,
      %broadcast_in_dim3A_81 = arith.constant 1.000000e+00 : f32
      %broadcast_in_dim3A_82 = vector.broadcast %broadcast_in_dim3A_81 : f32 to vector<16xf32>
      %swap3A_83 = arith.index_cast %scan3A_60 : i32 to index
      %swap3A_84 = arith.constant 0 : index
      %swap3A_85 = tpu.vector_load %arg14[%swap3A_83, %swap3A_84] {strides = array<i32>} : memref<80x16xf32, #tpu.memory_space<vmem>>, vector<1x16xf32>,
      %swap3A_86 = vector.shape_cast %swap3A_85 : vector<1x16xf32> to vector<16xf32>
      %swap3A_87 = vector.shape_cast %broadcast_in_dim3A_82 : vector<16xf32> to vector<1x16xf32>
      tpu.vector_store %arg14[%swap3A_83, %swap3A_84], %swap3A_87 {strides = array<i32>} : memref<80x16xf32, #tpu.memory_space<vmem>>, vector<1x16xf32>,
      %swap3A_88 = arith.index_cast %scan3A_60 : i32 to index
      %swap3A_89 = arith.constant 0 : index
      %swap3A_90 = tpu.vector_load %arg15[%swap3A_88, %swap3A_89] {strides = array<i32>} : memref<80x16xf32, #tpu.memory_space<vmem>>, vector<1x16xf32>,
      %swap3A_91 = vector.shape_cast %swap3A_90 : vector<1x16xf32> to vector<16xf32>
      %swap3A_92 = vector.shape_cast %broadcast_in_dim3A_0 : vector<16xf32> to vector<1x16xf32>
      tpu.vector_store %arg15[%swap3A_88, %swap3A_89], %swap3A_92 {strides = array<i32>} : memref<80x16xf32, #tpu.memory_space<vmem>>, vector<1x16xf32>,
      %scan3A_93 = arith.constant 0 : i32
      scf.yield %scan3A_93 : i32
    }
    %scan3A_6 = arith.constant 80 : i32
    %mul3A = arith.constant 624 : i32
    %mul3A_7 = arith.muli %arg1, %mul3A : i32
    %add3A = arith.constant 0 : i32
    %add3A_8 = arith.addi %mul3A_7, %add3A : i32
    "tpu.region"() ({
      %run_scoped3A = tpu.sem_alloc : memref<!tpu.dma_semaphore, #tpu.memory_space<semaphore_mem>>
      %dma_start3A = arith.constant 0 : i32
      %dma_start3A_60 = tpu.memref_slice %arg16[%add3A_8, %dma_start3A] : memref<10000x64xf32, #tpu.memory_space<vmem_shared>> -> memref<80x64xf32, #tpu.memory_space<vmem_shared>>
      %dma_start3A_61 = arith.constant 0 : i32
      %dma_start3A_62 = tpu.memref_slice %arg16[%add3A_8, %dma_start3A_61] : memref<10000x64xf32, #tpu.memory_space<vmem_shared>> -> memref<80x64xf32, #tpu.memory_space<vmem_shared>>
      tpu.enqueue_dma source(%arg12 : memref<80x64xf32, #tpu.memory_space<vmem>>) target(%dma_start3A_62 : memref<80x64xf32, #tpu.memory_space<vmem_shared>>) target_semaphore(%run_scoped3A : memref<!tpu.dma_semaphore, #tpu.memory_space<semaphore_mem>>)
      %dma_wait3A = arith.constant 0 : i32
      %dma_wait3A_63 = tpu.memref_slice %arg16[%add3A_8, %dma_wait3A] : memref<10000x64xf32, #tpu.memory_space<vmem_shared>> -> memref<80x64xf32, #tpu.memory_space<vmem_shared>>
      %dma_wait3A_64 = arith.constant 0 : i32
      %dma_wait3A_65 = tpu.memref_slice %arg16[%add3A_8, %dma_wait3A_64] : memref<10000x64xf32, #tpu.memory_space<vmem_shared>> -> memref<80x64xf32, #tpu.memory_space<vmem_shared>>
      tpu.wait_dma2 semaphore(%run_scoped3A : memref<!tpu.dma_semaphore, #tpu.memory_space<semaphore_mem>>) src(%arg12 : memref<80x64xf32, #tpu.memory_space<vmem>>) dst(%dma_wait3A_65 : memref<80x64xf32, #tpu.memory_space<vmem_shared>>)
      tpu.yield
    }) : () -> ()
    %add3A_9 = arith.constant 0 : i32
    %add3A_10 = arith.addi %mul3A_7, %add3A_9 : i32
    "tpu.region"() ({
      %run_scoped3A = tpu.sem_alloc : memref<!tpu.dma_semaphore, #tpu.memory_space<semaphore_mem>>
      %dma_start3A = arith.constant 0 : i32
      %dma_start3A_60 = tpu.memref_slice %arg17[%add3A_10, %dma_start3A] : memref<10000x16xf32, #tpu.memory_space<vmem_shared>> -> memref<80x16xf32, #tpu.memory_space<vmem_shared>>
      %dma_start3A_61 = arith.constant 0 : i32
      %dma_start3A_62 = tpu.memref_slice %arg17[%add3A_10, %dma_start3A_61] : memref<10000x16xf32, #tpu.memory_space<vmem_shared>> -> memref<80x16xf32, #tpu.memory_space<vmem_shared>>
      tpu.enqueue_dma source(%arg15 : memref<80x16xf32, #tpu.memory_space<vmem>>) target(%dma_start3A_62 : memref<80x16xf32, #tpu.memory_space<vmem_shared>>) target_semaphore(%run_scoped3A : memref<!tpu.dma_semaphore, #tpu.memory_space<semaphore_mem>>)
      %dma_wait3A = arith.constant 0 : i32
      %dma_wait3A_63 = tpu.memref_slice %arg17[%add3A_10, %dma_wait3A] : memref<10000x16xf32, #tpu.memory_space<vmem_shared>> -> memref<80x16xf32, #tpu.memory_space<vmem_shared>>
      %dma_wait3A_64 = arith.constant 0 : i32
      %dma_wait3A_65 = tpu.memref_slice %arg17[%add3A_10, %dma_wait3A_64] : memref<10000x16xf32, #tpu.memory_space<vmem_shared>> -> memref<80x16xf32, #tpu.memory_space<vmem_shared>>
      tpu.wait_dma2 semaphore(%run_scoped3A : memref<!tpu.dma_semaphore, #tpu.memory_space<semaphore_mem>>) src(%arg15 : memref<80x16xf32, #tpu.memory_space<vmem>>) dst(%dma_wait3A_65 : memref<80x16xf32, #tpu.memory_space<vmem_shared>>)
      tpu.yield
    }) : () -> ()
    %add3A_11 = arith.constant 80 : i32
    %add3A_12 = arith.addi %mul3A_7, %add3A_11 : i32
    "tpu.region"() ({
      %run_scoped3A = tpu.sem_alloc : memref<!tpu.dma_semaphore, #tpu.memory_space<semaphore_mem>>
      %dma_start3A = arith.constant 0 : i32
      %dma_start3A_60 = tpu.memref_slice %arg16[%add3A_12, %dma_start3A] : memref<10000x64xf32, #tpu.memory_space<vmem_shared>> -> memref<80x64xf32, #tpu.memory_space<vmem_shared>>
      %dma_start3A_61 = arith.constant 0 : i32
      %dma_start3A_62 = tpu.memref_slice %arg16[%add3A_12, %dma_start3A_61] : memref<10000x64xf32, #tpu.memory_space<vmem_shared>> -> memref<80x64xf32, #tpu.memory_space<vmem_shared>>
      tpu.enqueue_dma source(%arg12 : memref<80x64xf32, #tpu.memory_space<vmem>>) target(%dma_start3A_62 : memref<80x64xf32, #tpu.memory_space<vmem_shared>>) target_semaphore(%run_scoped3A : memref<!tpu.dma_semaphore, #tpu.memory_space<semaphore_mem>>)
      %dma_wait3A = arith.constant 0 : i32
      %dma_wait3A_63 = tpu.memref_slice %arg16[%add3A_12, %dma_wait3A] : memref<10000x64xf32, #tpu.memory_space<vmem_shared>> -> memref<80x64xf32, #tpu.memory_space<vmem_shared>>
      %dma_wait3A_64 = arith.constant 0 : i32
      %dma_wait3A_65 = tpu.memref_slice %arg16[%add3A_12, %dma_wait3A_64] : memref<10000x64xf32, #tpu.memory_space<vmem_shared>> -> memref<80x64xf32, #tpu.memory_space<vmem_shared>>
      tpu.wait_dma2 semaphore(%run_scoped3A : memref<!tpu.dma_semaphore, #tpu.memory_space<semaphore_mem>>) src(%arg12 : memref<80x64xf32, #tpu.memory_space<vmem>>) dst(%dma_wait3A_65 : memref<80x64xf32, #tpu.memory_space<vmem_shared>>)
      tpu.yield
    }) : () -> ()
    %add3A_13 = arith.constant 80 : i32
    %add3A_14 = arith.addi %mul3A_7, %add3A_13 : i32
    "tpu.region"() ({
      %run_scoped3A = tpu.sem_alloc : memref<!tpu.dma_semaphore, #tpu.memory_space<semaphore_mem>>
      %dma_start3A = arith.constant 0 : i32
      %dma_start3A_60 = tpu.memref_slice %arg17[%add3A_14, %dma_start3A] : memref<10000x16xf32, #tpu.memory_space<vmem_shared>> -> memref<80x16xf32, #tpu.memory_space<vmem_shared>>
      %dma_start3A_61 = arith.constant 0 : i32
      %dma_start3A_62 = tpu.memref_slice %arg17[%add3A_14, %dma_start3A_61] : memref<10000x16xf32, #tpu.memory_space<vmem_shared>> -> memref<80x16xf32, #tpu.memory_space<vmem_shared>>
      tpu.enqueue_dma source(%arg15 : memref<80x16xf32, #tpu.memory_space<vmem>>) target(%dma_start3A_62 : memref<80x16xf32, #tpu.memory_space<vmem_shared>>) target_semaphore(%run_scoped3A : memref<!tpu.dma_semaphore, #tpu.memory_space<semaphore_mem>>)
      %dma_wait3A = arith.constant 0 : i32
      %dma_wait3A_63 = tpu.memref_slice %arg17[%add3A_14, %dma_wait3A] : memref<10000x16xf32, #tpu.memory_space<vmem_shared>> -> memref<80x16xf32, #tpu.memory_space<vmem_shared>>
      %dma_wait3A_64 = arith.constant 0 : i32
      %dma_wait3A_65 = tpu.memref_slice %arg17[%add3A_14, %dma_wait3A_64] : memref<10000x16xf32, #tpu.memory_space<vmem_shared>> -> memref<80x16xf32, #tpu.memory_space<vmem_shared>>
      tpu.wait_dma2 semaphore(%run_scoped3A : memref<!tpu.dma_semaphore, #tpu.memory_space<semaphore_mem>>) src(%arg15 : memref<80x16xf32, #tpu.memory_space<vmem>>) dst(%dma_wait3A_65 : memref<80x16xf32, #tpu.memory_space<vmem_shared>>)
      tpu.yield
    }) : () -> ()
    %add3A_15 = arith.constant 160 : i32
    %add3A_16 = arith.addi %mul3A_7, %add3A_15 : i32
    "tpu.region"() ({
      %run_scoped3A = tpu.sem_alloc : memref<!tpu.dma_semaphore, #tpu.memory_space<semaphore_mem>>
      %dma_start3A = arith.constant 0 : i32
      %dma_start3A_60 = tpu.memref_slice %arg16[%add3A_16, %dma_start3A] : memref<10000x64xf32, #tpu.memory_space<vmem_shared>> -> memref<80x64xf32, #tpu.memory_space<vmem_shared>>
      %dma_start3A_61 = arith.constant 0 : i32
      %dma_start3A_62 = tpu.memref_slice %arg16[%add3A_16, %dma_start3A_61] : memref<10000x64xf32, #tpu.memory_space<vmem_shared>> -> memref<80x64xf32, #tpu.memory_space<vmem_shared>>
      tpu.enqueue_dma source(%arg12 : memref<80x64xf32, #tpu.memory_space<vmem>>) target(%dma_start3A_62 : memref<80x64xf32, #tpu.memory_space<vmem_shared>>) target_semaphore(%run_scoped3A : memref<!tpu.dma_semaphore, #tpu.memory_space<semaphore_mem>>)
      %dma_wait3A = arith.constant 0 : i32
      %dma_wait3A_63 = tpu.memref_slice %arg16[%add3A_16, %dma_wait3A] : memref<10000x64xf32, #tpu.memory_space<vmem_shared>> -> memref<80x64xf32, #tpu.memory_space<vmem_shared>>
      %dma_wait3A_64 = arith.constant 0 : i32
      %dma_wait3A_65 = tpu.memref_slice %arg16[%add3A_16, %dma_wait3A_64] : memref<10000x64xf32, #tpu.memory_space<vmem_shared>> -> memref<80x64xf32, #tpu.memory_space<vmem_shared>>
      tpu.wait_dma2 semaphore(%run_scoped3A : memref<!tpu.dma_semaphore, #tpu.memory_space<semaphore_mem>>) src(%arg12 : memref<80x64xf32, #tpu.memory_space<vmem>>) dst(%dma_wait3A_65 : memref<80x64xf32, #tpu.memory_space<vmem_shared>>)
      tpu.yield
    }) : () -> ()
    %add3A_17 = arith.constant 160 : i32
    %add3A_18 = arith.addi %mul3A_7, %add3A_17 : i32
    "tpu.region"() ({
      %run_scoped3A = tpu.sem_alloc : memref<!tpu.dma_semaphore, #tpu.memory_space<semaphore_mem>>
      %dma_start3A = arith.constant 0 : i32
      %dma_start3A_60 = tpu.memref_slice %arg17[%add3A_18, %dma_start3A] : memref<10000x16xf32, #tpu.memory_space<vmem_shared>> -> memref<80x16xf32, #tpu.memory_space<vmem_shared>>
      %dma_start3A_61 = arith.constant 0 : i32
      %dma_start3A_62 = tpu.memref_slice %arg17[%add3A_18, %dma_start3A_61] : memref<10000x16xf32, #tpu.memory_space<vmem_shared>> -> memref<80x16xf32, #tpu.memory_space<vmem_shared>>
      tpu.enqueue_dma source(%arg15 : memref<80x16xf32, #tpu.memory_space<vmem>>) target(%dma_start3A_62 : memref<80x16xf32, #tpu.memory_space<vmem_shared>>) target_semaphore(%run_scoped3A : memref<!tpu.dma_semaphore, #tpu.memory_space<semaphore_mem>>)
      %dma_wait3A = arith.constant 0 : i32
      %dma_wait3A_63 = tpu.memref_slice %arg17[%add3A_18, %dma_wait3A] : memref<10000x16xf32, #tpu.memory_space<vmem_shared>> -> memref<80x16xf32, #tpu.memory_space<vmem_shared>>
      %dma_wait3A_64 = arith.constant 0 : i32
      %dma_wait3A_65 = tpu.memref_slice %arg17[%add3A_18, %dma_wait3A_64] : memref<10000x16xf32, #tpu.memory_space<vmem_shared>> -> memref<80x16xf32, #tpu.memory_space<vmem_shared>>
      tpu.wait_dma2 semaphore(%run_scoped3A : memref<!tpu.dma_semaphore, #tpu.memory_space<semaphore_mem>>) src(%arg15 : memref<80x16xf32, #tpu.memory_space<vmem>>) dst(%dma_wait3A_65 : memref<80x16xf32, #tpu.memory_space<vmem_shared>>)
      tpu.yield
    }) : () -> ()
    %add3A_19 = arith.constant 240 : i32
    %add3A_20 = arith.addi %mul3A_7, %add3A_19 : i32
    "tpu.region"() ({
      %run_scoped3A = tpu.sem_alloc : memref<!tpu.dma_semaphore, #tpu.memory_space<semaphore_mem>>
      %dma_start3A = arith.constant 0 : i32
      %dma_start3A_60 = tpu.memref_slice %arg16[%add3A_20, %dma_start3A] : memref<10000x64xf32, #tpu.memory_space<vmem_shared>> -> memref<80x64xf32, #tpu.memory_space<vmem_shared>>
      %dma_start3A_61 = arith.constant 0 : i32
      %dma_start3A_62 = tpu.memref_slice %arg16[%add3A_20, %dma_start3A_61] : memref<10000x64xf32, #tpu.memory_space<vmem_shared>> -> memref<80x64xf32, #tpu.memory_space<vmem_shared>>
      tpu.enqueue_dma source(%arg12 : memref<80x64xf32, #tpu.memory_space<vmem>>) target(%dma_start3A_62 : memref<80x64xf32, #tpu.memory_space<vmem_shared>>) target_semaphore(%run_scoped3A : memref<!tpu.dma_semaphore, #tpu.memory_space<semaphore_mem>>)
      %dma_wait3A = arith.constant 0 : i32
      %dma_wait3A_63 = tpu.memref_slice %arg16[%add3A_20, %dma_wait3A] : memref<10000x64xf32, #tpu.memory_space<vmem_shared>> -> memref<80x64xf32, #tpu.memory_space<vmem_shared>>
      %dma_wait3A_64 = arith.constant 0 : i32
      %dma_wait3A_65 = tpu.memref_slice %arg16[%add3A_20, %dma_wait3A_64] : memref<10000x64xf32, #tpu.memory_space<vmem_shared>> -> memref<80x64xf32, #tpu.memory_space<vmem_shared>>
      tpu.wait_dma2 semaphore(%run_scoped3A : memref<!tpu.dma_semaphore, #tpu.memory_space<semaphore_mem>>) src(%arg12 : memref<80x64xf32, #tpu.memory_space<vmem>>) dst(%dma_wait3A_65 : memref<80x64xf32, #tpu.memory_space<vmem_shared>>)
      tpu.yield
    }) : () -> ()
    %add3A_21 = arith.constant 240 : i32
    %add3A_22 = arith.addi %mul3A_7, %add3A_21 : i32
    "tpu.region"() ({
      %run_scoped3A = tpu.sem_alloc : memref<!tpu.dma_semaphore, #tpu.memory_space<semaphore_mem>>
      %dma_start3A = arith.constant 0 : i32
      %dma_start3A_60 = tpu.memref_slice %arg17[%add3A_22, %dma_start3A] : memref<10000x16xf32, #tpu.memory_space<vmem_shared>> -> memref<80x16xf32, #tpu.memory_space<vmem_shared>>
      %dma_start3A_61 = arith.constant 0 : i32
      %dma_start3A_62 = tpu.memref_slice %arg17[%add3A_22, %dma_start3A_61] : memref<10000x16xf32, #tpu.memory_space<vmem_shared>> -> memref<80x16xf32, #tpu.memory_space<vmem_shared>>
      tpu.enqueue_dma source(%arg15 : memref<80x16xf32, #tpu.memory_space<vmem>>) target(%dma_start3A_62 : memref<80x16xf32, #tpu.memory_space<vmem_shared>>) target_semaphore(%run_scoped3A : memref<!tpu.dma_semaphore, #tpu.memory_space<semaphore_mem>>)
      %dma_wait3A = arith.constant 0 : i32
      %dma_wait3A_63 = tpu.memref_slice %arg17[%add3A_22, %dma_wait3A] : memref<10000x16xf32, #tpu.memory_space<vmem_shared>> -> memref<80x16xf32, #tpu.memory_space<vmem_shared>>
      %dma_wait3A_64 = arith.constant 0 : i32
      %dma_wait3A_65 = tpu.memref_slice %arg17[%add3A_22, %dma_wait3A_64] : memref<10000x16xf32, #tpu.memory_space<vmem_shared>> -> memref<80x16xf32, #tpu.memory_space<vmem_shared>>
      tpu.wait_dma2 semaphore(%run_scoped3A : memref<!tpu.dma_semaphore, #tpu.memory_space<semaphore_mem>>) src(%arg15 : memref<80x16xf32, #tpu.memory_space<vmem>>) dst(%dma_wait3A_65 : memref<80x16xf32, #tpu.memory_space<vmem_shared>>)
      tpu.yield
    }) : () -> ()
    %add3A_23 = arith.constant 320 : i32
    %add3A_24 = arith.addi %mul3A_7, %add3A_23 : i32
    "tpu.region"() ({
      %run_scoped3A = tpu.sem_alloc : memref<!tpu.dma_semaphore, #tpu.memory_space<semaphore_mem>>
      %dma_start3A = arith.constant 0 : i32
      %dma_start3A_60 = tpu.memref_slice %arg16[%add3A_24, %dma_start3A] : memref<10000x64xf32, #tpu.memory_space<vmem_shared>> -> memref<80x64xf32, #tpu.memory_space<vmem_shared>>
      %dma_start3A_61 = arith.constant 0 : i32
      %dma_start3A_62 = tpu.memref_slice %arg16[%add3A_24, %dma_start3A_61] : memref<10000x64xf32, #tpu.memory_space<vmem_shared>> -> memref<80x64xf32, #tpu.memory_space<vmem_shared>>
      tpu.enqueue_dma source(%arg12 : memref<80x64xf32, #tpu.memory_space<vmem>>) target(%dma_start3A_62 : memref<80x64xf32, #tpu.memory_space<vmem_shared>>) target_semaphore(%run_scoped3A : memref<!tpu.dma_semaphore, #tpu.memory_space<semaphore_mem>>)
      %dma_wait3A = arith.constant 0 : i32
      %dma_wait3A_63 = tpu.memref_slice %arg16[%add3A_24, %dma_wait3A] : memref<10000x64xf32, #tpu.memory_space<vmem_shared>> -> memref<80x64xf32, #tpu.memory_space<vmem_shared>>
      %dma_wait3A_64 = arith.constant 0 : i32
      %dma_wait3A_65 = tpu.memref_slice %arg16[%add3A_24, %dma_wait3A_64] : memref<10000x64xf32, #tpu.memory_space<vmem_shared>> -> memref<80x64xf32, #tpu.memory_space<vmem_shared>>
      tpu.wait_dma2 semaphore(%run_scoped3A : memref<!tpu.dma_semaphore, #tpu.memory_space<semaphore_mem>>) src(%arg12 : memref<80x64xf32, #tpu.memory_space<vmem>>) dst(%dma_wait3A_65 : memref<80x64xf32, #tpu.memory_space<vmem_shared>>)
      tpu.yield
    }) : () -> ()
    %add3A_25 = arith.constant 320 : i32
    %add3A_26 = arith.addi %mul3A_7, %add3A_25 : i32
    "tpu.region"() ({
      %run_scoped3A = tpu.sem_alloc : memref<!tpu.dma_semaphore, #tpu.memory_space<semaphore_mem>>
      %dma_start3A = arith.constant 0 : i32
      %dma_start3A_60 = tpu.memref_slice %arg17[%add3A_26, %dma_start3A] : memref<10000x16xf32, #tpu.memory_space<vmem_shared>> -> memref<80x16xf32, #tpu.memory_space<vmem_shared>>
      %dma_start3A_61 = arith.constant 0 : i32
      %dma_start3A_62 = tpu.memref_slice %arg17[%add3A_26, %dma_start3A_61] : memref<10000x16xf32, #tpu.memory_space<vmem_shared>> -> memref<80x16xf32, #tpu.memory_space<vmem_shared>>
      tpu.enqueue_dma source(%arg15 : memref<80x16xf32, #tpu.memory_space<vmem>>) target(%dma_start3A_62 : memref<80x16xf32, #tpu.memory_space<vmem_shared>>) target_semaphore(%run_scoped3A : memref<!tpu.dma_semaphore, #tpu.memory_space<semaphore_mem>>)
      %dma_wait3A = arith.constant 0 : i32
      %dma_wait3A_63 = tpu.memref_slice %arg17[%add3A_26, %dma_wait3A] : memref<10000x16xf32, #tpu.memory_space<vmem_shared>> -> memref<80x16xf32, #tpu.memory_space<vmem_shared>>
      %dma_wait3A_64 = arith.constant 0 : i32
      %dma_wait3A_65 = tpu.memref_slice %arg17[%add3A_26, %dma_wait3A_64] : memref<10000x16xf32, #tpu.memory_space<vmem_shared>> -> memref<80x16xf32, #tpu.memory_space<vmem_shared>>
      tpu.wait_dma2 semaphore(%run_scoped3A : memref<!tpu.dma_semaphore, #tpu.memory_space<semaphore_mem>>) src(%arg15 : memref<80x16xf32, #tpu.memory_space<vmem>>) dst(%dma_wait3A_65 : memref<80x16xf32, #tpu.memory_space<vmem_shared>>)
      tpu.yield
    }) : () -> ()
    %add3A_27 = arith.constant 400 : i32
    %add3A_28 = arith.addi %mul3A_7, %add3A_27 : i32
    "tpu.region"() ({
      %run_scoped3A = tpu.sem_alloc : memref<!tpu.dma_semaphore, #tpu.memory_space<semaphore_mem>>
      %dma_start3A = arith.constant 0 : i32
      %dma_start3A_60 = tpu.memref_slice %arg16[%add3A_28, %dma_start3A] : memref<10000x64xf32, #tpu.memory_space<vmem_shared>> -> memref<80x64xf32, #tpu.memory_space<vmem_shared>>
      %dma_start3A_61 = arith.constant 0 : i32
      %dma_start3A_62 = tpu.memref_slice %arg16[%add3A_28, %dma_start3A_61] : memref<10000x64xf32, #tpu.memory_space<vmem_shared>> -> memref<80x64xf32, #tpu.memory_space<vmem_shared>>
      tpu.enqueue_dma source(%arg12 : memref<80x64xf32, #tpu.memory_space<vmem>>) target(%dma_start3A_62 : memref<80x64xf32, #tpu.memory_space<vmem_shared>>) target_semaphore(%run_scoped3A : memref<!tpu.dma_semaphore, #tpu.memory_space<semaphore_mem>>)
      %dma_wait3A = arith.constant 0 : i32
      %dma_wait3A_63 = tpu.memref_slice %arg16[%add3A_28, %dma_wait3A] : memref<10000x64xf32, #tpu.memory_space<vmem_shared>> -> memref<80x64xf32, #tpu.memory_space<vmem_shared>>
      %dma_wait3A_64 = arith.constant 0 : i32
      %dma_wait3A_65 = tpu.memref_slice %arg16[%add3A_28, %dma_wait3A_64] : memref<10000x64xf32, #tpu.memory_space<vmem_shared>> -> memref<80x64xf32, #tpu.memory_space<vmem_shared>>
      tpu.wait_dma2 semaphore(%run_scoped3A : memref<!tpu.dma_semaphore, #tpu.memory_space<semaphore_mem>>) src(%arg12 : memref<80x64xf32, #tpu.memory_space<vmem>>) dst(%dma_wait3A_65 : memref<80x64xf32, #tpu.memory_space<vmem_shared>>)
      tpu.yield
    }) : () -> ()
    %add3A_29 = arith.constant 400 : i32
    %add3A_30 = arith.addi %mul3A_7, %add3A_29 : i32
    "tpu.region"() ({
      %run_scoped3A = tpu.sem_alloc : memref<!tpu.dma_semaphore, #tpu.memory_space<semaphore_mem>>
      %dma_start3A = arith.constant 0 : i32
      %dma_start3A_60 = tpu.memref_slice %arg17[%add3A_30, %dma_start3A] : memref<10000x16xf32, #tpu.memory_space<vmem_shared>> -> memref<80x16xf32, #tpu.memory_space<vmem_shared>>
      %dma_start3A_61 = arith.constant 0 : i32
      %dma_start3A_62 = tpu.memref_slice %arg17[%add3A_30, %dma_start3A_61] : memref<10000x16xf32, #tpu.memory_space<vmem_shared>> -> memref<80x16xf32, #tpu.memory_space<vmem_shared>>
      tpu.enqueue_dma source(%arg15 : memref<80x16xf32, #tpu.memory_space<vmem>>) target(%dma_start3A_62 : memref<80x16xf32, #tpu.memory_space<vmem_shared>>) target_semaphore(%run_scoped3A : memref<!tpu.dma_semaphore, #tpu.memory_space<semaphore_mem>>)
      %dma_wait3A = arith.constant 0 : i32
      %dma_wait3A_63 = tpu.memref_slice %arg17[%add3A_30, %dma_wait3A] : memref<10000x16xf32, #tpu.memory_space<vmem_shared>> -> memref<80x16xf32, #tpu.memory_space<vmem_shared>>
      %dma_wait3A_64 = arith.constant 0 : i32
      %dma_wait3A_65 = tpu.memref_slice %arg17[%add3A_30, %dma_wait3A_64] : memref<10000x16xf32, #tpu.memory_space<vmem_shared>> -> memref<80x16xf32, #tpu.memory_space<vmem_shared>>
      tpu.wait_dma2 semaphore(%run_scoped3A : memref<!tpu.dma_semaphore, #tpu.memory_space<semaphore_mem>>) src(%arg15 : memref<80x16xf32, #tpu.memory_space<vmem>>) dst(%dma_wait3A_65 : memref<80x16xf32, #tpu.memory_space<vmem_shared>>)
      tpu.yield
    }) : () -> ()
    %add3A_31 = arith.constant 480 : i32
    %add3A_32 = arith.addi %mul3A_7, %add3A_31 : i32
    "tpu.region"() ({
      %run_scoped3A = tpu.sem_alloc : memref<!tpu.dma_semaphore, #tpu.memory_space<semaphore_mem>>
      %dma_start3A = arith.constant 0 : i32
      %dma_start3A_60 = tpu.memref_slice %arg16[%add3A_32, %dma_start3A] : memref<10000x64xf32, #tpu.memory_space<vmem_shared>> -> memref<80x64xf32, #tpu.memory_space<vmem_shared>>
      %dma_start3A_61 = arith.constant 0 : i32
      %dma_start3A_62 = tpu.memref_slice %arg16[%add3A_32, %dma_start3A_61] : memref<10000x64xf32, #tpu.memory_space<vmem_shared>> -> memref<80x64xf32, #tpu.memory_space<vmem_shared>>
      tpu.enqueue_dma source(%arg12 : memref<80x64xf32, #tpu.memory_space<vmem>>) target(%dma_start3A_62 : memref<80x64xf32, #tpu.memory_space<vmem_shared>>) target_semaphore(%run_scoped3A : memref<!tpu.dma_semaphore, #tpu.memory_space<semaphore_mem>>)
      %dma_wait3A = arith.constant 0 : i32
      %dma_wait3A_63 = tpu.memref_slice %arg16[%add3A_32, %dma_wait3A] : memref<10000x64xf32, #tpu.memory_space<vmem_shared>> -> memref<80x64xf32, #tpu.memory_space<vmem_shared>>
      %dma_wait3A_64 = arith.constant 0 : i32
      %dma_wait3A_65 = tpu.memref_slice %arg16[%add3A_32, %dma_wait3A_64] : memref<10000x64xf32, #tpu.memory_space<vmem_shared>> -> memref<80x64xf32, #tpu.memory_space<vmem_shared>>
      tpu.wait_dma2 semaphore(%run_scoped3A : memref<!tpu.dma_semaphore, #tpu.memory_space<semaphore_mem>>) src(%arg12 : memref<80x64xf32, #tpu.memory_space<vmem>>) dst(%dma_wait3A_65 : memref<80x64xf32, #tpu.memory_space<vmem_shared>>)
      tpu.yield
    }) : () -> ()
    %add3A_33 = arith.constant 480 : i32
    %add3A_34 = arith.addi %mul3A_7, %add3A_33 : i32
    "tpu.region"() ({
      %run_scoped3A = tpu.sem_alloc : memref<!tpu.dma_semaphore, #tpu.memory_space<semaphore_mem>>
      %dma_start3A = arith.constant 0 : i32
      %dma_start3A_60 = tpu.memref_slice %arg17[%add3A_34, %dma_start3A] : memref<10000x16xf32, #tpu.memory_space<vmem_shared>> -> memref<80x16xf32, #tpu.memory_space<vmem_shared>>
      %dma_start3A_61 = arith.constant 0 : i32
      %dma_start3A_62 = tpu.memref_slice %arg17[%add3A_34, %dma_start3A_61] : memref<10000x16xf32, #tpu.memory_space<vmem_shared>> -> memref<80x16xf32, #tpu.memory_space<vmem_shared>>
      tpu.enqueue_dma source(%arg15 : memref<80x16xf32, #tpu.memory_space<vmem>>) target(%dma_start3A_62 : memref<80x16xf32, #tpu.memory_space<vmem_shared>>) target_semaphore(%run_scoped3A : memref<!tpu.dma_semaphore, #tpu.memory_space<semaphore_mem>>)
      %dma_wait3A = arith.constant 0 : i32
      %dma_wait3A_63 = tpu.memref_slice %arg17[%add3A_34, %dma_wait3A] : memref<10000x16xf32, #tpu.memory_space<vmem_shared>> -> memref<80x16xf32, #tpu.memory_space<vmem_shared>>
      %dma_wait3A_64 = arith.constant 0 : i32
      %dma_wait3A_65 = tpu.memref_slice %arg17[%add3A_34, %dma_wait3A_64] : memref<10000x16xf32, #tpu.memory_space<vmem_shared>> -> memref<80x16xf32, #tpu.memory_space<vmem_shared>>
      tpu.wait_dma2 semaphore(%run_scoped3A : memref<!tpu.dma_semaphore, #tpu.memory_space<semaphore_mem>>) src(%arg15 : memref<80x16xf32, #tpu.memory_space<vmem>>) dst(%dma_wait3A_65 : memref<80x16xf32, #tpu.memory_space<vmem_shared>>)
      tpu.yield
    }) : () -> ()
    %add3A_35 = arith.constant 560 : i32
    %add3A_36 = arith.addi %mul3A_7, %add3A_35 : i32
    "tpu.region"() ({
      %run_scoped3A = tpu.sem_alloc : memref<!tpu.dma_semaphore, #tpu.memory_space<semaphore_mem>>
      %dma_start3A = arith.constant 0 : i32
      %dma_start3A_60 = arith.constant 0 : i32
      %dma_start3A_61 = tpu.memref_slice %arg12[%dma_start3A, %dma_start3A_60] : memref<80x64xf32, #tpu.memory_space<vmem>> -> memref<64x64xf32, #tpu.memory_space<vmem>>
      %dma_start3A_62 = arith.constant 0 : i32
      %dma_start3A_63 = tpu.memref_slice %arg16[%add3A_36, %dma_start3A_62] : memref<10000x64xf32, #tpu.memory_space<vmem_shared>> -> memref<64x64xf32, #tpu.memory_space<vmem_shared>>
      %dma_start3A_64 = arith.constant 0 : i32
      %dma_start3A_65 = tpu.memref_slice %arg16[%add3A_36, %dma_start3A_64] : memref<10000x64xf32, #tpu.memory_space<vmem_shared>> -> memref<64x64xf32, #tpu.memory_space<vmem_shared>>
      %dma_start3A_66 = arith.constant 0 : i32
      %dma_start3A_67 = arith.constant 0 : i32
      %dma_start3A_68 = tpu.memref_slice %arg12[%dma_start3A_66, %dma_start3A_67] : memref<80x64xf32, #tpu.memory_space<vmem>> -> memref<64x64xf32, #tpu.memory_space<vmem>>
      tpu.enqueue_dma source(%dma_start3A_68 : memref<64x64xf32, #tpu.memory_space<vmem>>) target(%dma_start3A_65 : memref<64x64xf32, #tpu.memory_space<vmem_shared>>) target_semaphore(%run_scoped3A : memref<!tpu.dma_semaphore, #tpu.memory_space<semaphore_mem>>)
      %dma_wait3A = arith.constant 0 : i32
      %dma_wait3A_69 = arith.constant 0 : i32
      %dma_wait3A_70 = tpu.memref_slice %arg12[%dma_wait3A, %dma_wait3A_69] : memref<80x64xf32, #tpu.memory_space<vmem>> -> memref<64x64xf32, #tpu.memory_space<vmem>>
      %dma_wait3A_71 = arith.constant 0 : i32
      %dma_wait3A_72 = tpu.memref_slice %arg16[%add3A_36, %dma_wait3A_71] : memref<10000x64xf32, #tpu.memory_space<vmem_shared>> -> memref<64x64xf32, #tpu.memory_space<vmem_shared>>
      %dma_wait3A_73 = arith.constant 0 : i32
      %dma_wait3A_74 = tpu.memref_slice %arg16[%add3A_36, %dma_wait3A_73] : memref<10000x64xf32, #tpu.memory_space<vmem_shared>> -> memref<64x64xf32, #tpu.memory_space<vmem_shared>>
      %dma_wait3A_75 = arith.constant 0 : i32
      %dma_wait3A_76 = arith.constant 0 : i32
      %dma_wait3A_77 = tpu.memref_slice %arg12[%dma_wait3A_75, %dma_wait3A_76] : memref<80x64xf32, #tpu.memory_space<vmem>> -> memref<64x64xf32, #tpu.memory_space<vmem>>
      tpu.wait_dma2 semaphore(%run_scoped3A : memref<!tpu.dma_semaphore, #tpu.memory_space<semaphore_mem>>) src(%dma_wait3A_77 : memref<64x64xf32, #tpu.memory_space<vmem>>) dst(%dma_wait3A_74 : memref<64x64xf32, #tpu.memory_space<vmem_shared>>)
      tpu.yield
    }) : () -> ()
    "tpu.region"() ({
      %run_scoped3A = tpu.sem_alloc : memref<!tpu.dma_semaphore, #tpu.memory_space<semaphore_mem>>
      %dma_start3A = arith.constant 0 : i32
      %dma_start3A_60 = arith.constant 0 : i32
      %dma_start3A_61 = tpu.memref_slice %arg15[%dma_start3A, %dma_start3A_60] : memref<80x16xf32, #tpu.memory_space<vmem>> -> memref<64x16xf32, #tpu.memory_space<vmem>>
      %dma_start3A_62 = arith.constant 0 : i32
      %dma_start3A_63 = tpu.memref_slice %arg17[%add3A_36, %dma_start3A_62] : memref<10000x16xf32, #tpu.memory_space<vmem_shared>> -> memref<64x16xf32, #tpu.memory_space<vmem_shared>>
      %dma_start3A_64 = arith.constant 0 : i32
      %dma_start3A_65 = tpu.memref_slice %arg17[%add3A_36, %dma_start3A_64] : memref<10000x16xf32, #tpu.memory_space<vmem_shared>> -> memref<64x16xf32, #tpu.memory_space<vmem_shared>>
      %dma_start3A_66 = arith.constant 0 : i32
      %dma_start3A_67 = arith.constant 0 : i32
      %dma_start3A_68 = tpu.memref_slice %arg15[%dma_start3A_66, %dma_start3A_67] : memref<80x16xf32, #tpu.memory_space<vmem>> -> memref<64x16xf32, #tpu.memory_space<vmem>>
      tpu.enqueue_dma source(%dma_start3A_68 : memref<64x16xf32, #tpu.memory_space<vmem>>) target(%dma_start3A_65 : memref<64x16xf32, #tpu.memory_space<vmem_shared>>) target_semaphore(%run_scoped3A : memref<!tpu.dma_semaphore, #tpu.memory_space<semaphore_mem>>)
      %dma_wait3A = arith.constant 0 : i32
      %dma_wait3A_69 = arith.constant 0 : i32
      %dma_wait3A_70 = tpu.memref_slice %arg15[%dma_wait3A, %dma_wait3A_69] : memref<80x16xf32, #tpu.memory_space<vmem>> -> memref<64x16xf32, #tpu.memory_space<vmem>>
      %dma_wait3A_71 = arith.constant 0 : i32
      %dma_wait3A_72 = tpu.memref_slice %arg17[%add3A_36, %dma_wait3A_71] : memref<10000x16xf32, #tpu.memory_space<vmem_shared>> -> memref<64x16xf32, #tpu.memory_space<vmem_shared>>
      %dma_wait3A_73 = arith.constant 0 : i32
      %dma_wait3A_74 = tpu.memref_slice %arg17[%add3A_36, %dma_wait3A_73] : memref<10000x16xf32, #tpu.memory_space<vmem_shared>> -> memref<64x16xf32, #tpu.memory_space<vmem_shared>>
      %dma_wait3A_75 = arith.constant 0 : i32
      %dma_wait3A_76 = arith.constant 0 : i32
      %dma_wait3A_77 = tpu.memref_slice %arg15[%dma_wait3A_75, %dma_wait3A_76] : memref<80x16xf32, #tpu.memory_space<vmem>> -> memref<64x16xf32, #tpu.memory_space<vmem>>
      tpu.wait_dma2 semaphore(%run_scoped3A : memref<!tpu.dma_semaphore, #tpu.memory_space<semaphore_mem>>) src(%dma_wait3A_77 : memref<64x16xf32, #tpu.memory_space<vmem>>) dst(%dma_wait3A_74 : memref<64x16xf32, #tpu.memory_space<vmem_shared>>)
      tpu.yield
    }) : () -> ()
    %eq3A = arith.constant 15 : i32
    %eq3A_37 = arith.cmpi eq, %arg1, %eq3A : i32
    %convert_element_type3A = arith.extui %eq3A_37 : i1 to i32
    %cond3A = arith.constant 0 : i32
    %cond3A_38 = arith.cmpi ne, %convert_element_type3A, %cond3A : i32
    scf.if %cond3A_38 {
      "tpu.region"() ({
        %run_scoped3A = tpu.sem_alloc : memref<!tpu.dma_semaphore, #tpu.memory_space<semaphore_mem>>
        %dma_start3A = arith.constant 0 : i32
        %dma_start3A_60 = arith.constant 0 : i32
        %dma_start3A_61 = tpu.memref_slice %arg12[%dma_start3A, %dma_start3A_60] : memref<80x64xf32, #tpu.memory_space<vmem>> -> memref<16x64xf32, #tpu.memory_space<vmem>>
        %dma_start3A_62 = arith.constant 9984 : i32
        %dma_start3A_63 = arith.constant 0 : i32
        %dma_start3A_64 = tpu.memref_slice %arg16[%dma_start3A_62, %dma_start3A_63] : memref<10000x64xf32, #tpu.memory_space<vmem_shared>> -> memref<16x64xf32, #tpu.memory_space<vmem_shared>>
        %dma_start3A_65 = arith.constant 9984 : i32
        %dma_start3A_66 = arith.constant 0 : i32
        %dma_start3A_67 = tpu.memref_slice %arg16[%dma_start3A_65, %dma_start3A_66] : memref<10000x64xf32, #tpu.memory_space<vmem_shared>> -> memref<16x64xf32, #tpu.memory_space<vmem_shared>>
        %dma_start3A_68 = arith.constant 0 : i32
        %dma_start3A_69 = arith.constant 0 : i32
        %dma_start3A_70 = tpu.memref_slice %arg12[%dma_start3A_68, %dma_start3A_69] : memref<80x64xf32, #tpu.memory_space<vmem>> -> memref<16x64xf32, #tpu.memory_space<vmem>>
        tpu.enqueue_dma source(%dma_start3A_70 : memref<16x64xf32, #tpu.memory_space<vmem>>) target(%dma_start3A_67 : memref<16x64xf32, #tpu.memory_space<vmem_shared>>) target_semaphore(%run_scoped3A : memref<!tpu.dma_semaphore, #tpu.memory_space<semaphore_mem>>)
        %dma_wait3A = arith.constant 0 : i32
        %dma_wait3A_71 = arith.constant 0 : i32
        %dma_wait3A_72 = tpu.memref_slice %arg12[%dma_wait3A, %dma_wait3A_71] : memref<80x64xf32, #tpu.memory_space<vmem>> -> memref<16x64xf32, #tpu.memory_space<vmem>>
        %dma_wait3A_73 = arith.constant 9984 : i32
        %dma_wait3A_74 = arith.constant 0 : i32
        %dma_wait3A_75 = tpu.memref_slice %arg16[%dma_wait3A_73, %dma_wait3A_74] : memref<10000x64xf32, #tpu.memory_space<vmem_shared>> -> memref<16x64xf32, #tpu.memory_space<vmem_shared>>
        %dma_wait3A_76 = arith.constant 9984 : i32
        %dma_wait3A_77 = arith.constant 0 : i32
        %dma_wait3A_78 = tpu.memref_slice %arg16[%dma_wait3A_76, %dma_wait3A_77] : memref<10000x64xf32, #tpu.memory_space<vmem_shared>> -> memref<16x64xf32, #tpu.memory_space<vmem_shared>>
        %dma_wait3A_79 = arith.constant 0 : i32
        %dma_wait3A_80 = arith.constant 0 : i32
        %dma_wait3A_81 = tpu.memref_slice %arg12[%dma_wait3A_79, %dma_wait3A_80] : memref<80x64xf32, #tpu.memory_space<vmem>> -> memref<16x64xf32, #tpu.memory_space<vmem>>
        tpu.wait_dma2 semaphore(%run_scoped3A : memref<!tpu.dma_semaphore, #tpu.memory_space<semaphore_mem>>) src(%dma_wait3A_81 : memref<16x64xf32, #tpu.memory_space<vmem>>) dst(%dma_wait3A_78 : memref<16x64xf32, #tpu.memory_space<vmem_shared>>)
        tpu.yield
      }) : () -> ()
      "tpu.region"() ({
        %run_scoped3A = tpu.sem_alloc : memref<!tpu.dma_semaphore, #tpu.memory_space<semaphore_mem>>
        %dma_start3A = arith.constant 0 : i32
        %dma_start3A_60 = arith.constant 0 : i32
        %dma_start3A_61 = tpu.memref_slice %arg15[%dma_start3A, %dma_start3A_60] : memref<80x16xf32, #tpu.memory_space<vmem>> -> memref<16x16xf32, #tpu.memory_space<vmem>>
        %dma_start3A_62 = arith.constant 9984 : i32
        %dma_start3A_63 = arith.constant 0 : i32
        %dma_start3A_64 = tpu.memref_slice %arg17[%dma_start3A_62, %dma_start3A_63] : memref<10000x16xf32, #tpu.memory_space<vmem_shared>> -> memref<16x16xf32, #tpu.memory_space<vmem_shared>>
        %dma_start3A_65 = arith.constant 9984 : i32
        %dma_start3A_66 = arith.constant 0 : i32
        %dma_start3A_67 = tpu.memref_slice %arg17[%dma_start3A_65, %dma_start3A_66] : memref<10000x16xf32, #tpu.memory_space<vmem_shared>> -> memref<16x16xf32, #tpu.memory_space<vmem_shared>>
        %dma_start3A_68 = arith.constant 0 : i32
        %dma_start3A_69 = arith.constant 0 : i32
        %dma_start3A_70 = tpu.memref_slice %arg15[%dma_start3A_68, %dma_start3A_69] : memref<80x16xf32, #tpu.memory_space<vmem>> -> memref<16x16xf32, #tpu.memory_space<vmem>>
        tpu.enqueue_dma source(%dma_start3A_70 : memref<16x16xf32, #tpu.memory_space<vmem>>) target(%dma_start3A_67 : memref<16x16xf32, #tpu.memory_space<vmem_shared>>) target_semaphore(%run_scoped3A : memref<!tpu.dma_semaphore, #tpu.memory_space<semaphore_mem>>)
        %dma_wait3A = arith.constant 0 : i32
        %dma_wait3A_71 = arith.constant 0 : i32
        %dma_wait3A_72 = tpu.memref_slice %arg15[%dma_wait3A, %dma_wait3A_71] : memref<80x16xf32, #tpu.memory_space<vmem>> -> memref<16x16xf32, #tpu.memory_space<vmem>>
        %dma_wait3A_73 = arith.constant 9984 : i32
        %dma_wait3A_74 = arith.constant 0 : i32
        %dma_wait3A_75 = tpu.memref_slice %arg17[%dma_wait3A_73, %dma_wait3A_74] : memref<10000x16xf32, #tpu.memory_space<vmem_shared>> -> memref<16x16xf32, #tpu.memory_space<vmem_shared>>
        %dma_wait3A_76 = arith.constant 9984 : i32
        %dma_wait3A_77 = arith.constant 0 : i32
        %dma_wait3A_78 = tpu.memref_slice %arg17[%dma_wait3A_76, %dma_wait3A_77] : memref<10000x16xf32, #tpu.memory_space<vmem_shared>> -> memref<16x16xf32, #tpu.memory_space<vmem_shared>>
        %dma_wait3A_79 = arith.constant 0 : i32
        %dma_wait3A_80 = arith.constant 0 : i32
        %dma_wait3A_81 = tpu.memref_slice %arg15[%dma_wait3A_79, %dma_wait3A_80] : memref<80x16xf32, #tpu.memory_space<vmem>> -> memref<16x16xf32, #tpu.memory_space<vmem>>
        tpu.wait_dma2 semaphore(%run_scoped3A : memref<!tpu.dma_semaphore, #tpu.memory_space<semaphore_mem>>) src(%dma_wait3A_81 : memref<16x16xf32, #tpu.memory_space<vmem>>) dst(%dma_wait3A_78 : memref<16x16xf32, #tpu.memory_space<vmem_shared>>)
        tpu.yield
      }) : () -> ()
    } else {
    }
    %barrier3A = arith.constant 0 : index
    tpu.barrier barrier_id(%barrier3A)
    %eq3A_39 = arith.constant 0 : i32
    %eq3A_40 = arith.cmpi eq, %arg0, %eq3A_39 : i32
    %convert_element_type3A_41 = arith.extui %eq3A_40 : i1 to i32
    %cond3A_42 = arith.constant 0 : i32
    %cond3A_43 = arith.cmpi ne, %convert_element_type3A_41, %cond3A_42 : i32
    scf.if %cond3A_43 {
      %scan3A_60 = arith.constant 0 : i32
      %scan3A_61 = arith.constant 0 : i32
      %scan3A_62 = arith.constant 250 : i32
      %scan3A_63 = arith.addi %scan3A_61, %scan3A_62 : i32
      %scan3A_64 = arith.constant 1 : i32
      %scan3A_65 = scf.for %scan3A_67 = %scan3A_61 to %scan3A_63 step %scan3A_64 iter_args(%scan3A_68 = %scan3A_60) -> (i32)  : i32 {
        %mul3A_69 = arith.constant 20000 : i32
        %mul3A_70 = arith.muli %arg1, %mul3A_69 : i32
        %mul3A_71 = arith.constant 80 : i32
        %mul3A_72 = arith.muli %scan3A_67, %mul3A_71 : i32
        %add3A_73 = arith.addi %mul3A_70, %mul3A_72 : i32
        "tpu.region"() ({
          %run_scoped3A = tpu.sem_alloc : memref<!tpu.dma_semaphore, #tpu.memory_space<semaphore_mem>>
          %dma_start3A_92 = tpu.memref_slice %arg6[%add3A_73] : memref<320000xi32, #tpu.memory_space<hbm>> -> memref<80xi32, #tpu.memory_space<hbm>>
          %dma_start3A_93 = tpu.memref_slice %arg6[%add3A_73] : memref<320000xi32, #tpu.memory_space<hbm>> -> memref<80xi32, #tpu.memory_space<hbm>>
          tpu.enqueue_dma source(%dma_start3A_93 : memref<80xi32, #tpu.memory_space<hbm>>) target(%arg10 : memref<80xi32, #tpu.memory_space<vmem>>) target_semaphore(%run_scoped3A : memref<!tpu.dma_semaphore, #tpu.memory_space<semaphore_mem>>)
          %dma_wait3A_94 = tpu.memref_slice %arg6[%add3A_73] : memref<320000xi32, #tpu.memory_space<hbm>> -> memref<80xi32, #tpu.memory_space<hbm>>
          %dma_wait3A_95 = tpu.memref_slice %arg6[%add3A_73] : memref<320000xi32, #tpu.memory_space<hbm>> -> memref<80xi32, #tpu.memory_space<hbm>>
          tpu.wait_dma2 semaphore(%run_scoped3A : memref<!tpu.dma_semaphore, #tpu.memory_space<semaphore_mem>>) src(%dma_wait3A_95 : memref<80xi32, #tpu.memory_space<hbm>>) dst(%arg10 : memref<80xi32, #tpu.memory_space<vmem>>)
          tpu.yield
        }) : () -> ()
        "tpu.region"() ({
          %run_scoped3A = tpu.sem_alloc : memref<!tpu.dma_semaphore, #tpu.memory_space<semaphore_mem>>
          %dma_start3A_92 = tpu.memref_slice %arg7[%add3A_73] : memref<320000xi32, #tpu.memory_space<hbm>> -> memref<80xi32, #tpu.memory_space<hbm>>
          %dma_start3A_93 = tpu.memref_slice %arg7[%add3A_73] : memref<320000xi32, #tpu.memory_space<hbm>> -> memref<80xi32, #tpu.memory_space<hbm>>
          tpu.enqueue_dma source(%dma_start3A_93 : memref<80xi32, #tpu.memory_space<hbm>>) target(%arg11 : memref<80xi32, #tpu.memory_space<vmem>>) target_semaphore(%run_scoped3A : memref<!tpu.dma_semaphore, #tpu.memory_space<semaphore_mem>>)
          %dma_wait3A_94 = tpu.memref_slice %arg7[%add3A_73] : memref<320000xi32, #tpu.memory_space<hbm>> -> memref<80xi32, #tpu.memory_space<hbm>>
          %dma_wait3A_95 = tpu.memref_slice %arg7[%add3A_73] : memref<320000xi32, #tpu.memory_space<hbm>> -> memref<80xi32, #tpu.memory_space<hbm>>
          tpu.wait_dma2 semaphore(%run_scoped3A : memref<!tpu.dma_semaphore, #tpu.memory_space<semaphore_mem>>) src(%dma_wait3A_95 : memref<80xi32, #tpu.memory_space<hbm>>) dst(%arg11 : memref<80xi32, #tpu.memory_space<vmem>>)
          tpu.yield
        }) : () -> ()
        %dma_start3A = arith.constant 0 : i32
        %dma_start3A_74 = arith.constant 0 : i32
        %dma_start3A_75 = tpu.memref_slice %arg2[%dma_start3A, %dma_start3A_74] : memref<10000x64xf32, #tpu.memory_space<hbm>> -> memref<10000x64xf32, #tpu.memory_space<hbm>>
        tpu.enqueue_indirect_dma source(%dma_start3A_75 : memref<10000x64xf32, #tpu.memory_space<hbm>>) target(%arg12 : memref<80x64xf32, #tpu.memory_space<vmem>>) offsets(%arg10 : memref<80xi32, #tpu.memory_space<vmem>>) semaphore(%arg18 : memref<!tpu.dma_semaphore, #tpu.memory_space<semaphore_mem>>)
        %dma_start3A_76 = arith.constant 0 : i32
        %dma_start3A_77 = arith.constant 0 : i32
        %dma_start3A_78 = tpu.memref_slice %arg3[%dma_start3A_76, %dma_start3A_77] : memref<10000x64xf32, #tpu.memory_space<hbm>> -> memref<10000x64xf32, #tpu.memory_space<hbm>>
        tpu.enqueue_indirect_dma source(%dma_start3A_78 : memref<10000x64xf32, #tpu.memory_space<hbm>>) target(%arg13 : memref<80x64xf32, #tpu.memory_space<vmem>>) offsets(%arg11 : memref<80xi32, #tpu.memory_space<vmem>>) semaphore(%arg19 : memref<!tpu.dma_semaphore, #tpu.memory_space<semaphore_mem>>)
        %dma_wait3A = arith.constant 0 : i32
        %dma_wait3A_79 = arith.constant 0 : i32
        %dma_wait3A_80 = tpu.memref_slice %arg2[%dma_wait3A, %dma_wait3A_79] : memref<10000x64xf32, #tpu.memory_space<hbm>> -> memref<10000x64xf32, #tpu.memory_space<hbm>>
        tpu.wait_indirect_dma semaphore(%arg18 : memref<!tpu.dma_semaphore, #tpu.memory_space<semaphore_mem>>) src(%dma_wait3A_80 : memref<10000x64xf32, #tpu.memory_space<hbm>>) dst(%arg12 : memref<80x64xf32, #tpu.memory_space<vmem>>)
        %dma_wait3A_81 = arith.constant 0 : i32
        %dma_wait3A_82 = arith.constant 0 : i32
        %dma_wait3A_83 = tpu.memref_slice %arg3[%dma_wait3A_81, %dma_wait3A_82] : memref<10000x64xf32, #tpu.memory_space<hbm>> -> memref<10000x64xf32, #tpu.memory_space<hbm>>
        tpu.wait_indirect_dma semaphore(%arg19 : memref<!tpu.dma_semaphore, #tpu.memory_space<semaphore_mem>>) src(%dma_wait3A_83 : memref<10000x64xf32, #tpu.memory_space<hbm>>) dst(%arg13 : memref<80x64xf32, #tpu.memory_space<vmem>>)
        %scan3A_84 = arith.constant 0 : i32
        %scan3A_85 = arith.constant 0 : i32
        %scan3A_86 = arith.constant 80 : i32
        %scan3A_87 = arith.addi %scan3A_85, %scan3A_86 : i32
        %scan3A_88 = arith.constant 1 : i32
        %scan3A_89 = scf.for %scan3A_92 = %scan3A_85 to %scan3A_87 step %scan3A_88 iter_args(%scan3A_93 = %scan3A_84) -> (i32)  : i32 {
          %get3A = arith.index_cast %scan3A_92 : i32 to index
          %get3A_94 = arith.constant 0 : index
          %get3A_95 = tpu.vector_load %arg12[%get3A, %get3A_94] {strides = array<i32>} : memref<80x64xf32, #tpu.memory_space<vmem>>, vector<1x16xf32>,
          %get3A_96 = vector.shape_cast %get3A_95 : vector<1x16xf32> to vector<16xf32>
          %get3A_97 = arith.index_cast %scan3A_92 : i32 to index
          %get3A_98 = arith.constant 0 : index
          %get3A_99 = tpu.vector_load %arg13[%get3A_97, %get3A_98] {strides = array<i32>} : memref<80x64xf32, #tpu.memory_space<vmem>>, vector<1x16xf32>,
          %get3A_100 = vector.shape_cast %get3A_99 : vector<1x16xf32> to vector<16xf32>
          %add3A_101 = arith.addf %get3A_96, %get3A_100 : vector<16xf32>
          %max3A = arith.constant 0.000000e+00 : f32
          %max3A_102 = vector.broadcast %max3A : f32 to vector<16xf32>
          %max3A_103 = arith.maximumf %add3A_101, %max3A_102 : vector<16xf32>
          %swap3A = arith.index_cast %scan3A_92 : i32 to index
          %swap3A_104 = arith.constant 0 : index
          %swap3A_105 = tpu.vector_load %arg13[%swap3A, %swap3A_104] {strides = array<i32>} : memref<80x64xf32, #tpu.memory_space<vmem>>, vector<1x16xf32>,
          %swap3A_106 = vector.shape_cast %swap3A_105 : vector<1x16xf32> to vector<16xf32>
          %swap3A_107 = vector.shape_cast %max3A_103 : vector<16xf32> to vector<1x16xf32>
          tpu.vector_store %arg13[%swap3A, %swap3A_104], %swap3A_107 {strides = array<i32>} : memref<80x64xf32, #tpu.memory_space<vmem>>, vector<1x16xf32>,
          %get3A_108 = arith.index_cast %scan3A_92 : i32 to index
          %get3A_109 = arith.constant 16 : index
          %get3A_110 = tpu.vector_load %arg12[%get3A_108, %get3A_109] {strides = array<i32>} : memref<80x64xf32, #tpu.memory_space<vmem>>, vector<1x16xf32>,
          %get3A_111 = vector.shape_cast %get3A_110 : vector<1x16xf32> to vector<16xf32>
          %get3A_112 = arith.index_cast %scan3A_92 : i32 to index
          %get3A_113 = arith.constant 16 : index
          %get3A_114 = tpu.vector_load %arg13[%get3A_112, %get3A_113] {strides = array<i32>} : memref<80x64xf32, #tpu.memory_space<vmem>>, vector<1x16xf32>,
          %get3A_115 = vector.shape_cast %get3A_114 : vector<1x16xf32> to vector<16xf32>
          %add3A_116 = arith.addf %get3A_111, %get3A_115 : vector<16xf32>
          %max3A_117 = arith.constant 0.000000e+00 : f32
          %max3A_118 = vector.broadcast %max3A_117 : f32 to vector<16xf32>
          %max3A_119 = arith.maximumf %add3A_116, %max3A_118 : vector<16xf32>
          %swap3A_120 = arith.index_cast %scan3A_92 : i32 to index
          %swap3A_121 = arith.constant 16 : index
          %swap3A_122 = tpu.vector_load %arg13[%swap3A_120, %swap3A_121] {strides = array<i32>} : memref<80x64xf32, #tpu.memory_space<vmem>>, vector<1x16xf32>,
          %swap3A_123 = vector.shape_cast %swap3A_122 : vector<1x16xf32> to vector<16xf32>
          %swap3A_124 = vector.shape_cast %max3A_119 : vector<16xf32> to vector<1x16xf32>
          tpu.vector_store %arg13[%swap3A_120, %swap3A_121], %swap3A_124 {strides = array<i32>} : memref<80x64xf32, #tpu.memory_space<vmem>>, vector<1x16xf32>,
          %get3A_125 = arith.index_cast %scan3A_92 : i32 to index
          %get3A_126 = arith.constant 32 : index
          %get3A_127 = tpu.vector_load %arg12[%get3A_125, %get3A_126] {strides = array<i32>} : memref<80x64xf32, #tpu.memory_space<vmem>>, vector<1x16xf32>,
          %get3A_128 = vector.shape_cast %get3A_127 : vector<1x16xf32> to vector<16xf32>
          %get3A_129 = arith.index_cast %scan3A_92 : i32 to index
          %get3A_130 = arith.constant 32 : index
          %get3A_131 = tpu.vector_load %arg13[%get3A_129, %get3A_130] {strides = array<i32>} : memref<80x64xf32, #tpu.memory_space<vmem>>, vector<1x16xf32>,
          %get3A_132 = vector.shape_cast %get3A_131 : vector<1x16xf32> to vector<16xf32>
          %add3A_133 = arith.addf %get3A_128, %get3A_132 : vector<16xf32>
          %max3A_134 = arith.constant 0.000000e+00 : f32
          %max3A_135 = vector.broadcast %max3A_134 : f32 to vector<16xf32>
          %max3A_136 = arith.maximumf %add3A_133, %max3A_135 : vector<16xf32>
          %swap3A_137 = arith.index_cast %scan3A_92 : i32 to index
          %swap3A_138 = arith.constant 32 : index
          %swap3A_139 = tpu.vector_load %arg13[%swap3A_137, %swap3A_138] {strides = array<i32>} : memref<80x64xf32, #tpu.memory_space<vmem>>, vector<1x16xf32>,
          %swap3A_140 = vector.shape_cast %swap3A_139 : vector<1x16xf32> to vector<16xf32>
          %swap3A_141 = vector.shape_cast %max3A_136 : vector<16xf32> to vector<1x16xf32>
          tpu.vector_store %arg13[%swap3A_137, %swap3A_138], %swap3A_141 {strides = array<i32>} : memref<80x64xf32, #tpu.memory_space<vmem>>, vector<1x16xf32>,
          %get3A_142 = arith.index_cast %scan3A_92 : i32 to index
          %get3A_143 = arith.constant 48 : index
          %get3A_144 = tpu.vector_load %arg12[%get3A_142, %get3A_143] {strides = array<i32>} : memref<80x64xf32, #tpu.memory_space<vmem>>, vector<1x16xf32>,
          %get3A_145 = vector.shape_cast %get3A_144 : vector<1x16xf32> to vector<16xf32>
          %get3A_146 = arith.index_cast %scan3A_92 : i32 to index
          %get3A_147 = arith.constant 48 : index
          %get3A_148 = tpu.vector_load %arg13[%get3A_146, %get3A_147] {strides = array<i32>} : memref<80x64xf32, #tpu.memory_space<vmem>>, vector<1x16xf32>,
          %get3A_149 = vector.shape_cast %get3A_148 : vector<1x16xf32> to vector<16xf32>
          %add3A_150 = arith.addf %get3A_145, %get3A_149 : vector<16xf32>
          %max3A_151 = arith.constant 0.000000e+00 : f32
          %max3A_152 = vector.broadcast %max3A_151 : f32 to vector<16xf32>
          %max3A_153 = arith.maximumf %add3A_150, %max3A_152 : vector<16xf32>
          %swap3A_154 = arith.index_cast %scan3A_92 : i32 to index
          %swap3A_155 = arith.constant 48 : index
          %swap3A_156 = tpu.vector_load %arg13[%swap3A_154, %swap3A_155] {strides = array<i32>} : memref<80x64xf32, #tpu.memory_space<vmem>>, vector<1x16xf32>,
          %swap3A_157 = vector.shape_cast %swap3A_156 : vector<1x16xf32> to vector<16xf32>
          %swap3A_158 = vector.shape_cast %max3A_153 : vector<16xf32> to vector<1x16xf32>
          tpu.vector_store %arg13[%swap3A_154, %swap3A_155], %swap3A_158 {strides = array<i32>} : memref<80x64xf32, #tpu.memory_space<vmem>>, vector<1x16xf32>,
          %scan3A_159 = arith.constant 0 : i32
          scf.yield %scan3A_159 : i32
        }
        %scan3A_90 = arith.constant 80 : i32
        "tpu.region"() ({
          %run_scoped3A = tpu.sem_alloc : memref<!tpu.dma_semaphore, #tpu.memory_space<semaphore_mem>>
          %dma_start3A_92 = arith.constant 0 : i32
          %dma_start3A_93 = arith.constant 0 : i32
          %dma_start3A_94 = tpu.memref_slice %arg16[%dma_start3A_92, %dma_start3A_93] : memref<10000x64xf32, #tpu.memory_space<vmem_shared>> -> memref<10000x64xf32, #tpu.memory_space<vmem_shared>>
          tpu.enqueue_indirect_dma source(%arg13 : memref<80x64xf32, #tpu.memory_space<vmem>>) target(%dma_start3A_94 : memref<10000x64xf32, #tpu.memory_space<vmem_shared>>) offsets(%arg11 : memref<80xi32, #tpu.memory_space<vmem>>) semaphore(%run_scoped3A : memref<!tpu.dma_semaphore, #tpu.memory_space<semaphore_mem>>) {add = true}
          %dma_wait3A_95 = arith.constant 0 : i32
          %dma_wait3A_96 = arith.constant 0 : i32
          %dma_wait3A_97 = tpu.memref_slice %arg16[%dma_wait3A_95, %dma_wait3A_96] : memref<10000x64xf32, #tpu.memory_space<vmem_shared>> -> memref<10000x64xf32, #tpu.memory_space<vmem_shared>>
          tpu.wait_indirect_dma semaphore(%run_scoped3A : memref<!tpu.dma_semaphore, #tpu.memory_space<semaphore_mem>>) src(%arg13 : memref<80x64xf32, #tpu.memory_space<vmem>>) dst(%dma_wait3A_97 : memref<10000x64xf32, #tpu.memory_space<vmem_shared>>)
          tpu.yield
        }) : () -> ()
        "tpu.region"() ({
          %run_scoped3A = tpu.sem_alloc : memref<!tpu.dma_semaphore, #tpu.memory_space<semaphore_mem>>
          %dma_start3A_92 = arith.constant 0 : i32
          %dma_start3A_93 = arith.constant 0 : i32
          %dma_start3A_94 = tpu.memref_slice %arg17[%dma_start3A_92, %dma_start3A_93] : memref<10000x16xf32, #tpu.memory_space<vmem_shared>> -> memref<10000x16xf32, #tpu.memory_space<vmem_shared>>
          tpu.enqueue_indirect_dma source(%arg14 : memref<80x16xf32, #tpu.memory_space<vmem>>) target(%dma_start3A_94 : memref<10000x16xf32, #tpu.memory_space<vmem_shared>>) offsets(%arg11 : memref<80xi32, #tpu.memory_space<vmem>>) semaphore(%run_scoped3A : memref<!tpu.dma_semaphore, #tpu.memory_space<semaphore_mem>>) {add = true}
          %dma_wait3A_95 = arith.constant 0 : i32
          %dma_wait3A_96 = arith.constant 0 : i32
          %dma_wait3A_97 = tpu.memref_slice %arg17[%dma_wait3A_95, %dma_wait3A_96] : memref<10000x16xf32, #tpu.memory_space<vmem_shared>> -> memref<10000x16xf32, #tpu.memory_space<vmem_shared>>
          tpu.wait_indirect_dma semaphore(%run_scoped3A : memref<!tpu.dma_semaphore, #tpu.memory_space<semaphore_mem>>) src(%arg14 : memref<80x16xf32, #tpu.memory_space<vmem>>) dst(%dma_wait3A_97 : memref<10000x16xf32, #tpu.memory_space<vmem_shared>>)
          tpu.yield
        }) : () -> ()
        %scan3A_91 = arith.constant 0 : i32
        scf.yield %scan3A_91 : i32
      }
      %scan3A_66 = arith.constant 250 : i32
    } else {
    }
    %eq3A_44 = arith.constant 1 : i32
    %eq3A_45 = arith.cmpi eq, %arg0, %eq3A_44 : i32
    %convert_element_type3A_46 = arith.extui %eq3A_45 : i1 to i32
    %cond3A_47 = arith.constant 0 : i32
    %cond3A_48 = arith.cmpi ne, %convert_element_type3A_46, %cond3A_47 : i32
    scf.if %cond3A_48 {
      %scan3A_60 = arith.constant 0 : i32
      %scan3A_61 = arith.constant 0 : i32
      %scan3A_62 = arith.constant 250 : i32
      %scan3A_63 = arith.addi %scan3A_61, %scan3A_62 : i32
      %scan3A_64 = arith.constant 1 : i32
      %scan3A_65 = scf.for %scan3A_67 = %scan3A_61 to %scan3A_63 step %scan3A_64 iter_args(%scan3A_68 = %scan3A_60) -> (i32)  : i32 {
        %mul3A_69 = arith.constant 20000 : i32
        %mul3A_70 = arith.muli %arg1, %mul3A_69 : i32
        %mul3A_71 = arith.constant 80 : i32
        %mul3A_72 = arith.muli %scan3A_67, %mul3A_71 : i32
        %add3A_73 = arith.addi %mul3A_70, %mul3A_72 : i32
        "tpu.region"() ({
          %run_scoped3A = tpu.sem_alloc : memref<!tpu.dma_semaphore, #tpu.memory_space<semaphore_mem>>
          %dma_start3A_92 = tpu.memref_slice %arg6[%add3A_73] : memref<320000xi32, #tpu.memory_space<hbm>> -> memref<80xi32, #tpu.memory_space<hbm>>
          %dma_start3A_93 = tpu.memref_slice %arg6[%add3A_73] : memref<320000xi32, #tpu.memory_space<hbm>> -> memref<80xi32, #tpu.memory_space<hbm>>
          tpu.enqueue_dma source(%dma_start3A_93 : memref<80xi32, #tpu.memory_space<hbm>>) target(%arg10 : memref<80xi32, #tpu.memory_space<vmem>>) target_semaphore(%run_scoped3A : memref<!tpu.dma_semaphore, #tpu.memory_space<semaphore_mem>>)
          %dma_wait3A_94 = tpu.memref_slice %arg6[%add3A_73] : memref<320000xi32, #tpu.memory_space<hbm>> -> memref<80xi32, #tpu.memory_space<hbm>>
          %dma_wait3A_95 = tpu.memref_slice %arg6[%add3A_73] : memref<320000xi32, #tpu.memory_space<hbm>> -> memref<80xi32, #tpu.memory_space<hbm>>
          tpu.wait_dma2 semaphore(%run_scoped3A : memref<!tpu.dma_semaphore, #tpu.memory_space<semaphore_mem>>) src(%dma_wait3A_95 : memref<80xi32, #tpu.memory_space<hbm>>) dst(%arg10 : memref<80xi32, #tpu.memory_space<vmem>>)
          tpu.yield
        }) : () -> ()
        "tpu.region"() ({
          %run_scoped3A = tpu.sem_alloc : memref<!tpu.dma_semaphore, #tpu.memory_space<semaphore_mem>>
          %dma_start3A_92 = tpu.memref_slice %arg7[%add3A_73] : memref<320000xi32, #tpu.memory_space<hbm>> -> memref<80xi32, #tpu.memory_space<hbm>>
          %dma_start3A_93 = tpu.memref_slice %arg7[%add3A_73] : memref<320000xi32, #tpu.memory_space<hbm>> -> memref<80xi32, #tpu.memory_space<hbm>>
          tpu.enqueue_dma source(%dma_start3A_93 : memref<80xi32, #tpu.memory_space<hbm>>) target(%arg11 : memref<80xi32, #tpu.memory_space<vmem>>) target_semaphore(%run_scoped3A : memref<!tpu.dma_semaphore, #tpu.memory_space<semaphore_mem>>)
          %dma_wait3A_94 = tpu.memref_slice %arg7[%add3A_73] : memref<320000xi32, #tpu.memory_space<hbm>> -> memref<80xi32, #tpu.memory_space<hbm>>
          %dma_wait3A_95 = tpu.memref_slice %arg7[%add3A_73] : memref<320000xi32, #tpu.memory_space<hbm>> -> memref<80xi32, #tpu.memory_space<hbm>>
          tpu.wait_dma2 semaphore(%run_scoped3A : memref<!tpu.dma_semaphore, #tpu.memory_space<semaphore_mem>>) src(%dma_wait3A_95 : memref<80xi32, #tpu.memory_space<hbm>>) dst(%arg11 : memref<80xi32, #tpu.memory_space<vmem>>)
          tpu.yield
        }) : () -> ()
        %dma_start3A = arith.constant 0 : i32
        %dma_start3A_74 = arith.constant 0 : i32
        %dma_start3A_75 = tpu.memref_slice %arg4[%dma_start3A, %dma_start3A_74] : memref<10000x64xf32, #tpu.memory_space<hbm>> -> memref<10000x64xf32, #tpu.memory_space<hbm>>
        tpu.enqueue_indirect_dma source(%dma_start3A_75 : memref<10000x64xf32, #tpu.memory_space<hbm>>) target(%arg12 : memref<80x64xf32, #tpu.memory_space<vmem>>) offsets(%arg10 : memref<80xi32, #tpu.memory_space<vmem>>) semaphore(%arg18 : memref<!tpu.dma_semaphore, #tpu.memory_space<semaphore_mem>>)
        %dma_start3A_76 = arith.constant 0 : i32
        %dma_start3A_77 = arith.constant 0 : i32
        %dma_start3A_78 = tpu.memref_slice %arg5[%dma_start3A_76, %dma_start3A_77] : memref<10000x64xf32, #tpu.memory_space<hbm>> -> memref<10000x64xf32, #tpu.memory_space<hbm>>
        tpu.enqueue_indirect_dma source(%dma_start3A_78 : memref<10000x64xf32, #tpu.memory_space<hbm>>) target(%arg13 : memref<80x64xf32, #tpu.memory_space<vmem>>) offsets(%arg11 : memref<80xi32, #tpu.memory_space<vmem>>) semaphore(%arg19 : memref<!tpu.dma_semaphore, #tpu.memory_space<semaphore_mem>>)
        %dma_wait3A = arith.constant 0 : i32
        %dma_wait3A_79 = arith.constant 0 : i32
        %dma_wait3A_80 = tpu.memref_slice %arg4[%dma_wait3A, %dma_wait3A_79] : memref<10000x64xf32, #tpu.memory_space<hbm>> -> memref<10000x64xf32, #tpu.memory_space<hbm>>
        tpu.wait_indirect_dma semaphore(%arg18 : memref<!tpu.dma_semaphore, #tpu.memory_space<semaphore_mem>>) src(%dma_wait3A_80 : memref<10000x64xf32, #tpu.memory_space<hbm>>) dst(%arg12 : memref<80x64xf32, #tpu.memory_space<vmem>>)
        %dma_wait3A_81 = arith.constant 0 : i32
        %dma_wait3A_82 = arith.constant 0 : i32
        %dma_wait3A_83 = tpu.memref_slice %arg5[%dma_wait3A_81, %dma_wait3A_82] : memref<10000x64xf32, #tpu.memory_space<hbm>> -> memref<10000x64xf32, #tpu.memory_space<hbm>>
        tpu.wait_indirect_dma semaphore(%arg19 : memref<!tpu.dma_semaphore, #tpu.memory_space<semaphore_mem>>) src(%dma_wait3A_83 : memref<10000x64xf32, #tpu.memory_space<hbm>>) dst(%arg13 : memref<80x64xf32, #tpu.memory_space<vmem>>)
        %scan3A_84 = arith.constant 0 : i32
        %scan3A_85 = arith.constant 0 : i32
        %scan3A_86 = arith.constant 80 : i32
        %scan3A_87 = arith.addi %scan3A_85, %scan3A_86 : i32
        %scan3A_88 = arith.constant 1 : i32
        %scan3A_89 = scf.for %scan3A_92 = %scan3A_85 to %scan3A_87 step %scan3A_88 iter_args(%scan3A_93 = %scan3A_84) -> (i32)  : i32 {
          %get3A = arith.index_cast %scan3A_92 : i32 to index
          %get3A_94 = arith.constant 0 : index
          %get3A_95 = tpu.vector_load %arg12[%get3A, %get3A_94] {strides = array<i32>} : memref<80x64xf32, #tpu.memory_space<vmem>>, vector<1x16xf32>,
          %get3A_96 = vector.shape_cast %get3A_95 : vector<1x16xf32> to vector<16xf32>
          %get3A_97 = arith.index_cast %scan3A_92 : i32 to index
          %get3A_98 = arith.constant 0 : index
          %get3A_99 = tpu.vector_load %arg13[%get3A_97, %get3A_98] {strides = array<i32>} : memref<80x64xf32, #tpu.memory_space<vmem>>, vector<1x16xf32>,
          %get3A_100 = vector.shape_cast %get3A_99 : vector<1x16xf32> to vector<16xf32>
          %add3A_101 = arith.addf %get3A_96, %get3A_100 : vector<16xf32>
          %max3A = arith.constant 0.000000e+00 : f32
          %max3A_102 = vector.broadcast %max3A : f32 to vector<16xf32>
          %max3A_103 = arith.maximumf %add3A_101, %max3A_102 : vector<16xf32>
          %swap3A = arith.index_cast %scan3A_92 : i32 to index
          %swap3A_104 = arith.constant 0 : index
          %swap3A_105 = tpu.vector_load %arg13[%swap3A, %swap3A_104] {strides = array<i32>} : memref<80x64xf32, #tpu.memory_space<vmem>>, vector<1x16xf32>,
          %swap3A_106 = vector.shape_cast %swap3A_105 : vector<1x16xf32> to vector<16xf32>
          %swap3A_107 = vector.shape_cast %max3A_103 : vector<16xf32> to vector<1x16xf32>
          tpu.vector_store %arg13[%swap3A, %swap3A_104], %swap3A_107 {strides = array<i32>} : memref<80x64xf32, #tpu.memory_space<vmem>>, vector<1x16xf32>,
          %get3A_108 = arith.index_cast %scan3A_92 : i32 to index
          %get3A_109 = arith.constant 16 : index
          %get3A_110 = tpu.vector_load %arg12[%get3A_108, %get3A_109] {strides = array<i32>} : memref<80x64xf32, #tpu.memory_space<vmem>>, vector<1x16xf32>,
          %get3A_111 = vector.shape_cast %get3A_110 : vector<1x16xf32> to vector<16xf32>
          %get3A_112 = arith.index_cast %scan3A_92 : i32 to index
          %get3A_113 = arith.constant 16 : index
          %get3A_114 = tpu.vector_load %arg13[%get3A_112, %get3A_113] {strides = array<i32>} : memref<80x64xf32, #tpu.memory_space<vmem>>, vector<1x16xf32>,
          %get3A_115 = vector.shape_cast %get3A_114 : vector<1x16xf32> to vector<16xf32>
          %add3A_116 = arith.addf %get3A_111, %get3A_115 : vector<16xf32>
          %max3A_117 = arith.constant 0.000000e+00 : f32
          %max3A_118 = vector.broadcast %max3A_117 : f32 to vector<16xf32>
          %max3A_119 = arith.maximumf %add3A_116, %max3A_118 : vector<16xf32>
          %swap3A_120 = arith.index_cast %scan3A_92 : i32 to index
          %swap3A_121 = arith.constant 16 : index
          %swap3A_122 = tpu.vector_load %arg13[%swap3A_120, %swap3A_121] {strides = array<i32>} : memref<80x64xf32, #tpu.memory_space<vmem>>, vector<1x16xf32>,
          %swap3A_123 = vector.shape_cast %swap3A_122 : vector<1x16xf32> to vector<16xf32>
          %swap3A_124 = vector.shape_cast %max3A_119 : vector<16xf32> to vector<1x16xf32>
          tpu.vector_store %arg13[%swap3A_120, %swap3A_121], %swap3A_124 {strides = array<i32>} : memref<80x64xf32, #tpu.memory_space<vmem>>, vector<1x16xf32>,
          %get3A_125 = arith.index_cast %scan3A_92 : i32 to index
          %get3A_126 = arith.constant 32 : index
          %get3A_127 = tpu.vector_load %arg12[%get3A_125, %get3A_126] {strides = array<i32>} : memref<80x64xf32, #tpu.memory_space<vmem>>, vector<1x16xf32>,
          %get3A_128 = vector.shape_cast %get3A_127 : vector<1x16xf32> to vector<16xf32>
          %get3A_129 = arith.index_cast %scan3A_92 : i32 to index
          %get3A_130 = arith.constant 32 : index
          %get3A_131 = tpu.vector_load %arg13[%get3A_129, %get3A_130] {strides = array<i32>} : memref<80x64xf32, #tpu.memory_space<vmem>>, vector<1x16xf32>,
          %get3A_132 = vector.shape_cast %get3A_131 : vector<1x16xf32> to vector<16xf32>
          %add3A_133 = arith.addf %get3A_128, %get3A_132 : vector<16xf32>
          %max3A_134 = arith.constant 0.000000e+00 : f32
          %max3A_135 = vector.broadcast %max3A_134 : f32 to vector<16xf32>
          %max3A_136 = arith.maximumf %add3A_133, %max3A_135 : vector<16xf32>
          %swap3A_137 = arith.index_cast %scan3A_92 : i32 to index
          %swap3A_138 = arith.constant 32 : index
          %swap3A_139 = tpu.vector_load %arg13[%swap3A_137, %swap3A_138] {strides = array<i32>} : memref<80x64xf32, #tpu.memory_space<vmem>>, vector<1x16xf32>,
          %swap3A_140 = vector.shape_cast %swap3A_139 : vector<1x16xf32> to vector<16xf32>
          %swap3A_141 = vector.shape_cast %max3A_136 : vector<16xf32> to vector<1x16xf32>
          tpu.vector_store %arg13[%swap3A_137, %swap3A_138], %swap3A_141 {strides = array<i32>} : memref<80x64xf32, #tpu.memory_space<vmem>>, vector<1x16xf32>,
          %get3A_142 = arith.index_cast %scan3A_92 : i32 to index
          %get3A_143 = arith.constant 48 : index
          %get3A_144 = tpu.vector_load %arg12[%get3A_142, %get3A_143] {strides = array<i32>} : memref<80x64xf32, #tpu.memory_space<vmem>>, vector<1x16xf32>,
          %get3A_145 = vector.shape_cast %get3A_144 : vector<1x16xf32> to vector<16xf32>
          %get3A_146 = arith.index_cast %scan3A_92 : i32 to index
          %get3A_147 = arith.constant 48 : index
          %get3A_148 = tpu.vector_load %arg13[%get3A_146, %get3A_147] {strides = array<i32>} : memref<80x64xf32, #tpu.memory_space<vmem>>, vector<1x16xf32>,
          %get3A_149 = vector.shape_cast %get3A_148 : vector<1x16xf32> to vector<16xf32>
          %add3A_150 = arith.addf %get3A_145, %get3A_149 : vector<16xf32>
          %max3A_151 = arith.constant 0.000000e+00 : f32
          %max3A_152 = vector.broadcast %max3A_151 : f32 to vector<16xf32>
          %max3A_153 = arith.maximumf %add3A_150, %max3A_152 : vector<16xf32>
          %swap3A_154 = arith.index_cast %scan3A_92 : i32 to index
          %swap3A_155 = arith.constant 48 : index
          %swap3A_156 = tpu.vector_load %arg13[%swap3A_154, %swap3A_155] {strides = array<i32>} : memref<80x64xf32, #tpu.memory_space<vmem>>, vector<1x16xf32>,
          %swap3A_157 = vector.shape_cast %swap3A_156 : vector<1x16xf32> to vector<16xf32>
          %swap3A_158 = vector.shape_cast %max3A_153 : vector<16xf32> to vector<1x16xf32>
          tpu.vector_store %arg13[%swap3A_154, %swap3A_155], %swap3A_158 {strides = array<i32>} : memref<80x64xf32, #tpu.memory_space<vmem>>, vector<1x16xf32>,
          %scan3A_159 = arith.constant 0 : i32
          scf.yield %scan3A_159 : i32
        }
        %scan3A_90 = arith.constant 80 : i32
        "tpu.region"() ({
          %run_scoped3A = tpu.sem_alloc : memref<!tpu.dma_semaphore, #tpu.memory_space<semaphore_mem>>
          %dma_start3A_92 = arith.constant 0 : i32
          %dma_start3A_93 = arith.constant 0 : i32
          %dma_start3A_94 = tpu.memref_slice %arg16[%dma_start3A_92, %dma_start3A_93] : memref<10000x64xf32, #tpu.memory_space<vmem_shared>> -> memref<10000x64xf32, #tpu.memory_space<vmem_shared>>
          tpu.enqueue_indirect_dma source(%arg13 : memref<80x64xf32, #tpu.memory_space<vmem>>) target(%dma_start3A_94 : memref<10000x64xf32, #tpu.memory_space<vmem_shared>>) offsets(%arg11 : memref<80xi32, #tpu.memory_space<vmem>>) semaphore(%run_scoped3A : memref<!tpu.dma_semaphore, #tpu.memory_space<semaphore_mem>>) {add = true}
          %dma_wait3A_95 = arith.constant 0 : i32
          %dma_wait3A_96 = arith.constant 0 : i32
          %dma_wait3A_97 = tpu.memref_slice %arg16[%dma_wait3A_95, %dma_wait3A_96] : memref<10000x64xf32, #tpu.memory_space<vmem_shared>> -> memref<10000x64xf32, #tpu.memory_space<vmem_shared>>
          tpu.wait_indirect_dma semaphore(%run_scoped3A : memref<!tpu.dma_semaphore, #tpu.memory_space<semaphore_mem>>) src(%arg13 : memref<80x64xf32, #tpu.memory_space<vmem>>) dst(%dma_wait3A_97 : memref<10000x64xf32, #tpu.memory_space<vmem_shared>>)
          tpu.yield
        }) : () -> ()
        %scan3A_91 = arith.constant 0 : i32
        scf.yield %scan3A_91 : i32
      }
      %scan3A_66 = arith.constant 250 : i32
    } else {
    }
    %barrier3A_49 = arith.constant 0 : index
    tpu.barrier barrier_id(%barrier3A_49)
    "tpu.region"() ({
      %run_scoped3A = tpu.sem_alloc : memref<!tpu.dma_semaphore, #tpu.memory_space<semaphore_mem>>
      %dma_start3A = arith.constant 0 : i32
      %dma_start3A_60 = arith.constant 0 : i32
      %dma_start3A_61 = tpu.memref_slice %arg8[%arg0, %dma_start3A, %dma_start3A_60] : memref<2x10000x64xf32, #tpu.memory_space<hbm>> -> memref<1x10000x64xf32, #tpu.memory_space<hbm>>
      %dma_start3A_62 = tpu.memref_squeeze %dma_start3A_61 : memref<1x10000x64xf32, #tpu.memory_space<hbm>> -> memref<10000x64xf32, #tpu.memory_space<hbm>>
      %dma_start3A_63 = arith.constant 0 : i32
      %dma_start3A_64 = tpu.memref_slice %dma_start3A_62[%mul3A_7, %dma_start3A_63] : memref<10000x64xf32, #tpu.memory_space<hbm>> -> memref<624x64xf32, #tpu.memory_space<hbm>>
      %dma_start3A_65 = arith.constant 0 : i32
      %dma_start3A_66 = tpu.memref_slice %arg16[%mul3A_7, %dma_start3A_65] : memref<10000x64xf32, #tpu.memory_space<vmem_shared>> -> memref<624x64xf32, #tpu.memory_space<vmem_shared>>
      tpu.enqueue_dma source(%dma_start3A_66 : memref<624x64xf32, #tpu.memory_space<vmem_shared>>) target(%dma_start3A_64 : memref<624x64xf32, #tpu.memory_space<hbm>>) target_semaphore(%run_scoped3A : memref<!tpu.dma_semaphore, #tpu.memory_space<semaphore_mem>>)
      %dma_wait3A = arith.constant 0 : i32
      %dma_wait3A_67 = arith.constant 0 : i32
      %dma_wait3A_68 = tpu.memref_slice %arg8[%arg0, %dma_wait3A, %dma_wait3A_67] : memref<2x10000x64xf32, #tpu.memory_space<hbm>> -> memref<1x10000x64xf32, #tpu.memory_space<hbm>>
      %dma_wait3A_69 = tpu.memref_squeeze %dma_wait3A_68 : memref<1x10000x64xf32, #tpu.memory_space<hbm>> -> memref<10000x64xf32, #tpu.memory_space<hbm>>
      %dma_wait3A_70 = arith.constant 0 : i32
      %dma_wait3A_71 = tpu.memref_slice %dma_wait3A_69[%mul3A_7, %dma_wait3A_70] : memref<10000x64xf32, #tpu.memory_space<hbm>> -> memref<624x64xf32, #tpu.memory_space<hbm>>
      %dma_wait3A_72 = arith.constant 0 : i32
      %dma_wait3A_73 = tpu.memref_slice %arg16[%mul3A_7, %dma_wait3A_72] : memref<10000x64xf32, #tpu.memory_space<vmem_shared>> -> memref<624x64xf32, #tpu.memory_space<vmem_shared>>
      tpu.wait_dma2 semaphore(%run_scoped3A : memref<!tpu.dma_semaphore, #tpu.memory_space<semaphore_mem>>) src(%dma_wait3A_73 : memref<624x64xf32, #tpu.memory_space<vmem_shared>>) dst(%dma_wait3A_71 : memref<624x64xf32, #tpu.memory_space<hbm>>)
      tpu.yield
    }) : () -> ()
    %eq3A_50 = arith.constant 0 : i32
    %eq3A_51 = arith.cmpi eq, %arg0, %eq3A_50 : i32
    %convert_element_type3A_52 = arith.extui %eq3A_51 : i1 to i32
    %cond3A_53 = arith.constant 0 : i32
    %cond3A_54 = arith.cmpi ne, %convert_element_type3A_52, %cond3A_53 : i32
    scf.if %cond3A_54 {
      "tpu.region"() ({
        %run_scoped3A = tpu.sem_alloc : memref<!tpu.dma_semaphore, #tpu.memory_space<semaphore_mem>>
        %dma_start3A = arith.constant 0 : i32
        %dma_start3A_60 = tpu.memref_slice %arg9[%mul3A_7, %dma_start3A] : memref<10000x16xf32, #tpu.memory_space<hbm>> -> memref<624x16xf32, #tpu.memory_space<hbm>>
        %dma_start3A_61 = arith.constant 0 : i32
        %dma_start3A_62 = tpu.memref_slice %arg17[%mul3A_7, %dma_start3A_61] : memref<10000x16xf32, #tpu.memory_space<vmem_shared>> -> memref<624x16xf32, #tpu.memory_space<vmem_shared>>
        tpu.enqueue_dma source(%dma_start3A_62 : memref<624x16xf32, #tpu.memory_space<vmem_shared>>) target(%dma_start3A_60 : memref<624x16xf32, #tpu.memory_space<hbm>>) target_semaphore(%run_scoped3A : memref<!tpu.dma_semaphore, #tpu.memory_space<semaphore_mem>>)
        %dma_wait3A = arith.constant 0 : i32
        %dma_wait3A_63 = tpu.memref_slice %arg9[%mul3A_7, %dma_wait3A] : memref<10000x16xf32, #tpu.memory_space<hbm>> -> memref<624x16xf32, #tpu.memory_space<hbm>>
        %dma_wait3A_64 = arith.constant 0 : i32
        %dma_wait3A_65 = tpu.memref_slice %arg17[%mul3A_7, %dma_wait3A_64] : memref<10000x16xf32, #tpu.memory_space<vmem_shared>> -> memref<624x16xf32, #tpu.memory_space<vmem_shared>>
        tpu.wait_dma2 semaphore(%run_scoped3A : memref<!tpu.dma_semaphore, #tpu.memory_space<semaphore_mem>>) src(%dma_wait3A_65 : memref<624x16xf32, #tpu.memory_space<vmem_shared>>) dst(%dma_wait3A_63 : memref<624x16xf32, #tpu.memory_space<hbm>>)
        tpu.yield
      }) : () -> ()
    } else {
    }
    %eq3A_55 = arith.constant 15 : i32
    %eq3A_56 = arith.cmpi eq, %arg1, %eq3A_55 : i32
    %convert_element_type3A_57 = arith.extui %eq3A_56 : i1 to i32
    %cond3A_58 = arith.constant 0 : i32
    %cond3A_59 = arith.cmpi ne, %convert_element_type3A_57, %cond3A_58 : i32
    scf.if %cond3A_59 {
      "tpu.region"() ({
        %run_scoped3A = tpu.sem_alloc : memref<!tpu.dma_semaphore, #tpu.memory_space<semaphore_mem>>
        %dma_start3A = arith.constant 0 : i32
        %dma_start3A_65 = arith.constant 0 : i32
        %dma_start3A_66 = tpu.memref_slice %arg8[%arg0, %dma_start3A, %dma_start3A_65] : memref<2x10000x64xf32, #tpu.memory_space<hbm>> -> memref<1x10000x64xf32, #tpu.memory_space<hbm>>
        %dma_start3A_67 = tpu.memref_squeeze %dma_start3A_66 : memref<1x10000x64xf32, #tpu.memory_space<hbm>> -> memref<10000x64xf32, #tpu.memory_space<hbm>>
        %dma_start3A_68 = arith.constant 9984 : i32
        %dma_start3A_69 = arith.constant 0 : i32
        %dma_start3A_70 = tpu.memref_slice %dma_start3A_67[%dma_start3A_68, %dma_start3A_69] : memref<10000x64xf32, #tpu.memory_space<hbm>> -> memref<16x64xf32, #tpu.memory_space<hbm>>
        %dma_start3A_71 = arith.constant 9984 : i32
        %dma_start3A_72 = arith.constant 0 : i32
        %dma_start3A_73 = tpu.memref_slice %arg16[%dma_start3A_71, %dma_start3A_72] : memref<10000x64xf32, #tpu.memory_space<vmem_shared>> -> memref<16x64xf32, #tpu.memory_space<vmem_shared>>
        tpu.enqueue_dma source(%dma_start3A_73 : memref<16x64xf32, #tpu.memory_space<vmem_shared>>) target(%dma_start3A_70 : memref<16x64xf32, #tpu.memory_space<hbm>>) target_semaphore(%run_scoped3A : memref<!tpu.dma_semaphore, #tpu.memory_space<semaphore_mem>>)
        %dma_wait3A = arith.constant 0 : i32
        %dma_wait3A_74 = arith.constant 0 : i32
        %dma_wait3A_75 = tpu.memref_slice %arg8[%arg0, %dma_wait3A, %dma_wait3A_74] : memref<2x10000x64xf32, #tpu.memory_space<hbm>> -> memref<1x10000x64xf32, #tpu.memory_space<hbm>>
        %dma_wait3A_76 = tpu.memref_squeeze %dma_wait3A_75 : memref<1x10000x64xf32, #tpu.memory_space<hbm>> -> memref<10000x64xf32, #tpu.memory_space<hbm>>
        %dma_wait3A_77 = arith.constant 9984 : i32
        %dma_wait3A_78 = arith.constant 0 : i32
        %dma_wait3A_79 = tpu.memref_slice %dma_wait3A_76[%dma_wait3A_77, %dma_wait3A_78] : memref<10000x64xf32, #tpu.memory_space<hbm>> -> memref<16x64xf32, #tpu.memory_space<hbm>>
        %dma_wait3A_80 = arith.constant 9984 : i32
        %dma_wait3A_81 = arith.constant 0 : i32
        %dma_wait3A_82 = tpu.memref_slice %arg16[%dma_wait3A_80, %dma_wait3A_81] : memref<10000x64xf32, #tpu.memory_space<vmem_shared>> -> memref<16x64xf32, #tpu.memory_space<vmem_shared>>
        tpu.wait_dma2 semaphore(%run_scoped3A : memref<!tpu.dma_semaphore, #tpu.memory_space<semaphore_mem>>) src(%dma_wait3A_82 : memref<16x64xf32, #tpu.memory_space<vmem_shared>>) dst(%dma_wait3A_79 : memref<16x64xf32, #tpu.memory_space<hbm>>)
        tpu.yield
      }) : () -> ()
      %eq3A_60 = arith.constant 0 : i32
      %eq3A_61 = arith.cmpi eq, %arg0, %eq3A_60 : i32
      %convert_element_type3A_62 = arith.extui %eq3A_61 : i1 to i32
      %cond3A_63 = arith.constant 0 : i32
      %cond3A_64 = arith.cmpi ne, %convert_element_type3A_62, %cond3A_63 : i32
      scf.if %cond3A_64 {
        "tpu.region"() ({
          %run_scoped3A = tpu.sem_alloc : memref<!tpu.dma_semaphore, #tpu.memory_space<semaphore_mem>>
          %dma_start3A = arith.constant 9984 : i32
          %dma_start3A_65 = arith.constant 0 : i32
          %dma_start3A_66 = tpu.memref_slice %arg9[%dma_start3A, %dma_start3A_65] : memref<10000x16xf32, #tpu.memory_space<hbm>> -> memref<16x16xf32, #tpu.memory_space<hbm>>
          %dma_start3A_67 = arith.constant 9984 : i32
          %dma_start3A_68 = arith.constant 0 : i32
          %dma_start3A_69 = tpu.memref_slice %arg17[%dma_start3A_67, %dma_start3A_68] : memref<10000x16xf32, #tpu.memory_space<vmem_shared>> -> memref<16x16xf32, #tpu.memory_space<vmem_shared>>
          tpu.enqueue_dma source(%dma_start3A_69 : memref<16x16xf32, #tpu.memory_space<vmem_shared>>) target(%dma_start3A_66 : memref<16x16xf32, #tpu.memory_space<hbm>>) target_semaphore(%run_scoped3A : memref<!tpu.dma_semaphore, #tpu.memory_space<semaphore_mem>>)
          %dma_wait3A = arith.constant 9984 : i32
          %dma_wait3A_70 = arith.constant 0 : i32
          %dma_wait3A_71 = tpu.memref_slice %arg9[%dma_wait3A, %dma_wait3A_70] : memref<10000x16xf32, #tpu.memory_space<hbm>> -> memref<16x16xf32, #tpu.memory_space<hbm>>
          %dma_wait3A_72 = arith.constant 9984 : i32
          %dma_wait3A_73 = arith.constant 0 : i32
          %dma_wait3A_74 = tpu.memref_slice %arg17[%dma_wait3A_72, %dma_wait3A_73] : memref<10000x16xf32, #tpu.memory_space<vmem_shared>> -> memref<16x16xf32, #tpu.memory_space<vmem_shared>>
          tpu.wait_dma2 semaphore(%run_scoped3A : memref<!tpu.dma_semaphore, #tpu.memory_space<semaphore_mem>>) src(%dma_wait3A_74 : memref<16x16xf32, #tpu.memory_space<vmem_shared>>) dst(%dma_wait3A_71 : memref<16x16xf32, #tpu.memory_space<hbm>>)
          tpu.yield
        }) : () -> ()
      } else {
      }
    } else {
    }
    return
  }
}

module attributes {stable_mosaic.version = 14 : i64} {
  func.func @_tc_pre_body(%arg0: i32, %arg1: memref<1000x128xf32, #tpu.memory_space<vmem>>, %arg2: memref<256x128xf32, #tpu.memory_space<vmem>>, %arg3: memref<1x128xf32, #tpu.memory_space<vmem>>, %arg4: memref<1000x64xf32, #tpu.memory_space<vmem>>, %arg5: memref<1000x64xf32, #tpu.memory_space<vmem>>, %arg6: memref<1000x64xf32, #tpu.memory_space<vmem>>, %arg7: memref<1000x64xf32, #tpu.memory_space<vmem>>) attributes {dimension_semantics = [#tpu.dimension_semantics<arbitrary>], iteration_bounds = array<i64: 10>, scalar_prefetch = 0 : i64, scratch_operands = 0 : i64, tpu.core_type = #tpu.core_type<tc>, window_params = [{transform_indices = @transform_0, window_bounds = array<i64: 1000, 128>}, {pipeline_mode = #tpu.pipeline_mode<synchronous>, transform_indices = @transform_1, window_bounds = array<i64: 256, 128>}, {pipeline_mode = #tpu.pipeline_mode<synchronous>, transform_indices = @transform_2, window_bounds = array<i64: 1, 128>}, {transform_indices = @transform_3, window_bounds = array<i64: 1000, 64>}, {transform_indices = @transform_4, window_bounds = array<i64: 1000, 64>}, {transform_indices = @transform_5, window_bounds = array<i64: 1000, 64>}, {transform_indices = @transform_6, window_bounds = array<i64: 1000, 64>}]} {
    %get3A = arith.constant 0 : index
    %get3A_0 = arith.constant 0 : index
    %get3A_1 = vector.load %arg1[%get3A, %get3A_0] : memref<1000x128xf32, #tpu.memory_space<vmem>>, vector<1000x128xf32>
    %get3A_2 = arith.constant 0 : index
    %get3A_3 = arith.constant 0 : index
    %get3A_4 = vector.load %arg2[%get3A_2, %get3A_3] : memref<256x128xf32, #tpu.memory_space<vmem>>, vector<128x128xf32>
    %dot_general3A = arith.constant dense<0.000000e+00> : vector<1000x128xf32>
    %dot_general3A_5 = tpu.matmul %get3A_1, %get3A_4, %dot_general3A {dimension_numbers = #tpu.dot_dimension_numbers<[1], [0], [0], [1], [0, 0, 1, 1], [], []>, transpose_lhs_hint = false} : vector<1000x128xf32>, vector<128x128xf32>, vector<1000x128xf32> -> vector<1000x128xf32>
    %get3A_6 = arith.constant 0 : index
    %get3A_7 = arith.constant 0 : index
    %get3A_8 = vector.load %arg3[%get3A_6, %get3A_7] : memref<1x128xf32, #tpu.memory_space<vmem>>, vector<1x128xf32>
    %add3A = vector.broadcast %get3A_8 : vector<1x128xf32> to vector<1000x128xf32>
    %add3A_9 = arith.addf %dot_general3A_5, %add3A : vector<1000x128xf32>
    %get3A_10 = arith.constant 128 : index
    %get3A_11 = arith.constant 0 : index
    %get3A_12 = vector.load %arg2[%get3A_10, %get3A_11] : memref<256x128xf32, #tpu.memory_space<vmem>>, vector<128x128xf32>
    %dot_general3A_13 = arith.constant dense<0.000000e+00> : vector<1000x128xf32>
    %dot_general3A_14 = tpu.matmul %get3A_1, %get3A_12, %dot_general3A_13 {dimension_numbers = #tpu.dot_dimension_numbers<[1], [0], [0], [1], [0, 0, 1, 1], [], []>, transpose_lhs_hint = false} : vector<1000x128xf32>, vector<128x128xf32>, vector<1000x128xf32> -> vector<1000x128xf32>
    %slice3A = vector.extract_strided_slice %add3A_9 {offsets = [0, 0], sizes = [1000, 64], strides = [1, 1]} : vector<1000x128xf32> to vector<1000x64xf32>
    %swap3A = arith.constant 0 : index
    %swap3A_15 = arith.constant 0 : index
    %swap3A_16 = vector.load %arg4[%swap3A, %swap3A_15] : memref<1000x64xf32, #tpu.memory_space<vmem>>, vector<1000x64xf32>
    tpu.vector_store %arg4[%swap3A, %swap3A_15], %slice3A {strides = array<i32>} : memref<1000x64xf32, #tpu.memory_space<vmem>>, vector<1000x64xf32>,
    %slice3A_17 = vector.extract_strided_slice %add3A_9 {offsets = [0, 64], sizes = [1000, 64], strides = [1, 1]} : vector<1000x128xf32> to vector<1000x64xf32>
    %swap3A_18 = arith.constant 0 : index
    %swap3A_19 = arith.constant 0 : index
    %swap3A_20 = vector.load %arg6[%swap3A_18, %swap3A_19] : memref<1000x64xf32, #tpu.memory_space<vmem>>, vector<1000x64xf32>
    tpu.vector_store %arg6[%swap3A_18, %swap3A_19], %slice3A_17 {strides = array<i32>} : memref<1000x64xf32, #tpu.memory_space<vmem>>, vector<1000x64xf32>,
    %slice3A_21 = vector.extract_strided_slice %dot_general3A_14 {offsets = [0, 0], sizes = [1000, 64], strides = [1, 1]} : vector<1000x128xf32> to vector<1000x64xf32>
    %swap3A_22 = arith.constant 0 : index
    %swap3A_23 = arith.constant 0 : index
    %swap3A_24 = vector.load %arg5[%swap3A_22, %swap3A_23] : memref<1000x64xf32, #tpu.memory_space<vmem>>, vector<1000x64xf32>
    tpu.vector_store %arg5[%swap3A_22, %swap3A_23], %slice3A_21 {strides = array<i32>} : memref<1000x64xf32, #tpu.memory_space<vmem>>, vector<1000x64xf32>,
    %slice3A_25 = vector.extract_strided_slice %dot_general3A_14 {offsets = [0, 64], sizes = [1000, 64], strides = [1, 1]} : vector<1000x128xf32> to vector<1000x64xf32>
    %swap3A_26 = arith.constant 0 : index
    %swap3A_27 = arith.constant 0 : index
    %swap3A_28 = vector.load %arg7[%swap3A_26, %swap3A_27] : memref<1000x64xf32, #tpu.memory_space<vmem>>, vector<1000x64xf32>
    tpu.vector_store %arg7[%swap3A_26, %swap3A_27], %slice3A_25 {strides = array<i32>} : memref<1000x64xf32, #tpu.memory_space<vmem>>, vector<1000x64xf32>,
    return
  }
  func.func @transform_0(%arg0: i32) -> (i32, i32) {
    %c0_i32 = arith.constant 0 : i32
    %c0_i32_0 = arith.constant 0 : i32
    return %arg0, %c0_i32 : i32, i32
  }
  func.func @transform_1(%arg0: i32) -> (i32, i32) {
    %c0_i32 = arith.constant 0 : i32
    %c0_i32_0 = arith.constant 0 : i32
    %c0_i32_1 = arith.constant 0 : i32
    return %c0_i32, %c0_i32_0 : i32, i32
  }
  func.func @transform_2(%arg0: i32) -> (i32, i32) {
    %c0_i32 = arith.constant 0 : i32
    %c0_i32_0 = arith.constant 0 : i32
    %c0_i32_1 = arith.constant 0 : i32
    return %c0_i32, %c0_i32_0 : i32, i32
  }
  func.func @transform_3(%arg0: i32) -> (i32, i32) {
    %c0_i32 = arith.constant 0 : i32
    %c0_i32_0 = arith.constant 0 : i32
    return %arg0, %c0_i32 : i32, i32
  }
  func.func @transform_4(%arg0: i32) -> (i32, i32) {
    %c0_i32 = arith.constant 0 : i32
    %c0_i32_0 = arith.constant 0 : i32
    return %arg0, %c0_i32 : i32, i32
  }
  func.func @transform_5(%arg0: i32) -> (i32, i32) {
    %c0_i32 = arith.constant 0 : i32
    %c0_i32_0 = arith.constant 0 : i32
    return %arg0, %c0_i32 : i32, i32
  }
  func.func @transform_6(%arg0: i32) -> (i32, i32) {
    %c0_i32 = arith.constant 0 : i32
    %c0_i32_0 = arith.constant 0 : i32
    return %arg0, %c0_i32 : i32, i32
  }
}

module attributes {stable_mosaic.version = 14 : i64} {
  func.func @_tc_node_body(%arg0: i32, %arg1: memref<2x1000x64xf32, #tpu.memory_space<vmem>>, %arg2: memref<1000x16xf32, #tpu.memory_space<vmem>>, %arg3: memref<1000x128xf32, #tpu.memory_space<vmem>>, %arg4: memref<128x128xf32, #tpu.memory_space<vmem>>, %arg5: memref<1x128xf32, #tpu.memory_space<vmem>>, %arg6: memref<256x128xf32, #tpu.memory_space<vmem>>, %arg7: memref<1x128xf32, #tpu.memory_space<vmem>>, %arg8: memref<128x128xf32, #tpu.memory_space<vmem>>, %arg9: memref<1x128xf32, #tpu.memory_space<vmem>>, %arg10: memref<1000x128xf32, #tpu.memory_space<vmem>>) attributes {dimension_semantics = [#tpu.dimension_semantics<arbitrary>], iteration_bounds = array<i64: 10>, scalar_prefetch = 0 : i64, scratch_operands = 0 : i64, tpu.core_type = #tpu.core_type<tc>, window_params = [{transform_indices = @transform_0, window_bounds = array<i64: 2, 1000, 64>}, {transform_indices = @transform_1, window_bounds = array<i64: 1000, 16>}, {transform_indices = @transform_2, window_bounds = array<i64: 1000, 128>}, {pipeline_mode = #tpu.pipeline_mode<synchronous>, transform_indices = @transform_3, window_bounds = array<i64: 128, 128>}, {pipeline_mode = #tpu.pipeline_mode<synchronous>, transform_indices = @transform_4, window_bounds = array<i64: 1, 128>}, {pipeline_mode = #tpu.pipeline_mode<synchronous>, transform_indices = @transform_5, window_bounds = array<i64: 256, 128>}, {pipeline_mode = #tpu.pipeline_mode<synchronous>, transform_indices = @transform_6, window_bounds = array<i64: 1, 128>}, {pipeline_mode = #tpu.pipeline_mode<synchronous>, transform_indices = @transform_7, window_bounds = array<i64: 128, 128>}, {pipeline_mode = #tpu.pipeline_mode<synchronous>, transform_indices = @transform_8, window_bounds = array<i64: 1, 128>}, {transform_indices = @transform_9, window_bounds = array<i64: 1000, 128>}]} {
    %get3A = arith.constant 128 : index
    %get3A_0 = arith.constant 0 : index
    %get3A_1 = vector.load %arg6[%get3A, %get3A_0] : memref<256x128xf32, #tpu.memory_space<vmem>>, vector<128x128xf32>
    %get3A_2 = arith.constant 0 : index
    %get3A_3 = arith.constant 0 : index
    %get3A_4 = vector.load %arg4[%get3A_2, %get3A_3] : memref<128x128xf32, #tpu.memory_space<vmem>>, vector<128x128xf32>
    %dot_general3A = arith.constant dense<0.000000e+00> : vector<128x128xf32>
    %dot_general3A_5 = tpu.matmul %get3A_4, %get3A_1, %dot_general3A {dimension_numbers = #tpu.dot_dimension_numbers<[1], [0], [0], [1], [0, 0, 1, 1], [], []>, transpose_lhs_hint = false} : vector<128x128xf32>, vector<128x128xf32>, vector<128x128xf32> -> vector<128x128xf32>
    %get3A_6 = arith.constant 0 : index
    %get3A_7 = arith.constant 0 : index
    %get3A_8 = vector.load %arg5[%get3A_6, %get3A_7] : memref<1x128xf32, #tpu.memory_space<vmem>>, vector<1x128xf32>
    %dot_general3A_9 = arith.constant dense<0.000000e+00> : vector<1x128xf32>
    %dot_general3A_10 = tpu.matmul %get3A_8, %get3A_1, %dot_general3A_9 {dimension_numbers = #tpu.dot_dimension_numbers<[1], [0], [0], [1], [0, 0, 1, 1], [], []>, transpose_lhs_hint = false} : vector<1x128xf32>, vector<128x128xf32>, vector<1x128xf32> -> vector<1x128xf32>
    %get3A_11 = arith.constant 0 : index
    %get3A_12 = arith.constant 0 : index
    %get3A_13 = arith.constant 0 : index
    %get3A_14 = vector.load %arg1[%get3A_11, %get3A_12, %get3A_13] : memref<2x1000x64xf32, #tpu.memory_space<vmem>>, vector<1x1000x64xf32>
    %get3A_15 = vector.shape_cast %get3A_14 : vector<1x1000x64xf32> to vector<1000x64xf32>
    %get3A_16 = arith.constant 1 : index
    %get3A_17 = arith.constant 0 : index
    %get3A_18 = arith.constant 0 : index
    %get3A_19 = vector.load %arg1[%get3A_16, %get3A_17, %get3A_18] : memref<2x1000x64xf32, #tpu.memory_space<vmem>>, vector<1x1000x64xf32>
    %get3A_20 = vector.shape_cast %get3A_19 : vector<1x1000x64xf32> to vector<1000x64xf32>
    %concatenate3A = tpu.concatenate %get3A_15, %get3A_20 in 1 : vector<1000x64xf32>, vector<1000x64xf32> -> vector<1000x128xf32>
    %get3A_21 = arith.constant 0 : index
    %get3A_22 = arith.constant 0 : index
    %get3A_23 = vector.load %arg2[%get3A_21, %get3A_22] : memref<1000x16xf32, #tpu.memory_space<vmem>>, vector<1000x16xf32>
    %slice3A = vector.extract_strided_slice %get3A_23 {offsets = [0, 0], sizes = [1000, 1], strides = [1, 1]} : vector<1000x16xf32> to vector<1000x1xf32>
    %get3A_24 = arith.constant 0 : index
    %get3A_25 = arith.constant 0 : index
    %get3A_26 = vector.load %arg3[%get3A_24, %get3A_25] : memref<1000x128xf32, #tpu.memory_space<vmem>>, vector<1000x128xf32>
    %get3A_27 = arith.constant 0 : index
    %get3A_28 = arith.constant 0 : index
    %get3A_29 = vector.load %arg6[%get3A_27, %get3A_28] : memref<256x128xf32, #tpu.memory_space<vmem>>, vector<128x128xf32>
    %dot_general3A_30 = arith.constant dense<0.000000e+00> : vector<1000x128xf32>
    %dot_general3A_31 = tpu.matmul %get3A_26, %get3A_29, %dot_general3A_30 {dimension_numbers = #tpu.dot_dimension_numbers<[1], [0], [0], [1], [0, 0, 1, 1], [], []>, transpose_lhs_hint = false} : vector<1000x128xf32>, vector<128x128xf32>, vector<1000x128xf32> -> vector<1000x128xf32>
    %dot_general3A_32 = arith.constant dense<0.000000e+00> : vector<1000x128xf32>
    %dot_general3A_33 = tpu.matmul %concatenate3A, %dot_general3A_5, %dot_general3A_32 {dimension_numbers = #tpu.dot_dimension_numbers<[1], [0], [0], [1], [0, 0, 1, 1], [], []>, transpose_lhs_hint = false} : vector<1000x128xf32>, vector<128x128xf32>, vector<1000x128xf32> -> vector<1000x128xf32>
    %add3A = arith.addf %dot_general3A_31, %dot_general3A_33 : vector<1000x128xf32>
    %mul3A = vector.broadcast %slice3A : vector<1000x1xf32> to vector<1000x128xf32>
    %mul3A_34 = vector.broadcast %dot_general3A_10 : vector<1x128xf32> to vector<1000x128xf32>
    %mul3A_35 = arith.mulf %mul3A, %mul3A_34 : vector<1000x128xf32>
    %add3A_36 = arith.addf %add3A, %mul3A_35 : vector<1000x128xf32>
    %get3A_37 = arith.constant 0 : index
    %get3A_38 = arith.constant 0 : index
    %get3A_39 = vector.load %arg7[%get3A_37, %get3A_38] : memref<1x128xf32, #tpu.memory_space<vmem>>, vector<1x128xf32>
    %add3A_40 = vector.broadcast %get3A_39 : vector<1x128xf32> to vector<1000x128xf32>
    %add3A_41 = arith.addf %add3A_36, %add3A_40 : vector<1000x128xf32>
    %max3A = arith.constant 0.000000e+00 : f32
    %max3A_42 = vector.broadcast %max3A : f32 to vector<1000x128xf32>
    %max3A_43 = arith.maximumf %add3A_41, %max3A_42 : vector<1000x128xf32>
    %get3A_44 = arith.constant 0 : index
    %get3A_45 = arith.constant 0 : index
    %get3A_46 = vector.load %arg8[%get3A_44, %get3A_45] : memref<128x128xf32, #tpu.memory_space<vmem>>, vector<128x128xf32>
    %dot_general3A_47 = arith.constant dense<0.000000e+00> : vector<1000x128xf32>
    %dot_general3A_48 = tpu.matmul %max3A_43, %get3A_46, %dot_general3A_47 {dimension_numbers = #tpu.dot_dimension_numbers<[1], [0], [0], [1], [0, 0, 1, 1], [], []>, transpose_lhs_hint = false} : vector<1000x128xf32>, vector<128x128xf32>, vector<1000x128xf32> -> vector<1000x128xf32>
    %get3A_49 = arith.constant 0 : index
    %get3A_50 = arith.constant 0 : index
    %get3A_51 = vector.load %arg9[%get3A_49, %get3A_50] : memref<1x128xf32, #tpu.memory_space<vmem>>, vector<1x128xf32>
    %add3A_52 = vector.broadcast %get3A_51 : vector<1x128xf32> to vector<1000x128xf32>
    %add3A_53 = arith.addf %dot_general3A_48, %add3A_52 : vector<1000x128xf32>
    %swap3A = arith.constant 0 : index
    %swap3A_54 = arith.constant 0 : index
    %swap3A_55 = vector.load %arg10[%swap3A, %swap3A_54] : memref<1000x128xf32, #tpu.memory_space<vmem>>, vector<1000x128xf32>
    tpu.vector_store %arg10[%swap3A, %swap3A_54], %add3A_53 {strides = array<i32>} : memref<1000x128xf32, #tpu.memory_space<vmem>>, vector<1000x128xf32>,
    return
  }
  func.func @transform_0(%arg0: i32) -> (i32, i32, i32) {
    %c0_i32 = arith.constant 0 : i32
    %c0_i32_0 = arith.constant 0 : i32
    %c0_i32_1 = arith.constant 0 : i32
    return %c0_i32, %arg0, %c0_i32_0 : i32, i32, i32
  }
  func.func @transform_1(%arg0: i32) -> (i32, i32) {
    %c0_i32 = arith.constant 0 : i32
    %c0_i32_0 = arith.constant 0 : i32
    return %arg0, %c0_i32 : i32, i32
  }
  func.func @transform_2(%arg0: i32) -> (i32, i32) {
    %c0_i32 = arith.constant 0 : i32
    %c0_i32_0 = arith.constant 0 : i32
    return %arg0, %c0_i32 : i32, i32
  }
  func.func @transform_3(%arg0: i32) -> (i32, i32) {
    %c0_i32 = arith.constant 0 : i32
    %c0_i32_0 = arith.constant 0 : i32
    %c0_i32_1 = arith.constant 0 : i32
    return %c0_i32, %c0_i32_0 : i32, i32
  }
  func.func @transform_4(%arg0: i32) -> (i32, i32) {
    %c0_i32 = arith.constant 0 : i32
    %c0_i32_0 = arith.constant 0 : i32
    %c0_i32_1 = arith.constant 0 : i32
    return %c0_i32, %c0_i32_0 : i32, i32
  }
  func.func @transform_5(%arg0: i32) -> (i32, i32) {
    %c0_i32 = arith.constant 0 : i32
    %c0_i32_0 = arith.constant 0 : i32
    %c0_i32_1 = arith.constant 0 : i32
    return %c0_i32, %c0_i32_0 : i32, i32
  }
  func.func @transform_6(%arg0: i32) -> (i32, i32) {
    %c0_i32 = arith.constant 0 : i32
    %c0_i32_0 = arith.constant 0 : i32
    %c0_i32_1 = arith.constant 0 : i32
    return %c0_i32, %c0_i32_0 : i32, i32
  }
  func.func @transform_7(%arg0: i32) -> (i32, i32) {
    %c0_i32 = arith.constant 0 : i32
    %c0_i32_0 = arith.constant 0 : i32
    %c0_i32_1 = arith.constant 0 : i32
    return %c0_i32, %c0_i32_0 : i32, i32
  }
  func.func @transform_8(%arg0: i32) -> (i32, i32) {
    %c0_i32 = arith.constant 0 : i32
    %c0_i32_0 = arith.constant 0 : i32
    %c0_i32_1 = arith.constant 0 : i32
    return %c0_i32, %c0_i32_0 : i32, i32
  }
  func.func @transform_9(%arg0: i32) -> (i32, i32) {
    %c0_i32 = arith.constant 0 : i32
    %c0_i32_0 = arith.constant 0 : i32
    return %arg0, %c0_i32 : i32, i32
  }
}

</mosaic_0001>

<sc_bundles>
// kernel: kernel.5.cloned.1.call-start
scs
__scs_entry_jumppad:
0x0: {  	(pc) =	sbr.rel $0x88, $3  }
0x1: {  	(tag) =	ssettag $0x0;
	lr =	simm.s32 $0x1  }
0x2: {  	[smem:$0x3F97] =	sst lr;
	_ =	strace $0xD0000000  }
0x3: {  	_ = 	snop  }
0x4: {  	_ = 	snop  }
0x5: {  	_ = 	snop  }
0x6: {  	_ = 	snop  }
0x7: {  	_ = 	snop  }
__scs_overlays_trampoline_lowered:
0x8: {  	[smem:$0x3FA6] =	sst s0  }
0x9: {  	[smem:$0x3FA7] =	sst s1  }
0xa: {  	[smem:$0x3FA8] =	sst s2  }
0xb: {  	[smem:$0x3FA9] =	sst s3  }
0xc: {  	[smem:$0x3FAA] =	sst s4  }
0xd: {  	[smem:$0x3FAB] =	sst s5  }
0xe: {  	[smem:$0x3FAC] =	sst s6  }
0xf: {  	[smem:$0x3FAD] =	sst s7  }
0x10: {  	[smem:$0x3FAE] =	sst s8  }
0x11: {  	[smem:$0x3FAF] =	sst s9;
	s0 =	simm.s32 @!p0 $0x0  }
0x12: {  	s1 =	sld [smem:$0x3F95];
	s0 =	simm.s32 @p0 $0x1  }
0x13: {  	[smem:$0x3FB0] =	sst s0;
	s0 =	simm.s32 @!p1 $0x0  }
0x14: {  	s2 =	sld [smem:$0x3F94];
	s0 =	simm.s32 @p1 $0x1  }
0x15: {  	[smem:$0x3FB1] =	sst s0;
	s0 =	simm.s32 @!p2 $0x0  }
0x16: {  	s3 =	sld [smem:$0x3FDB];
	s0 =	simm.s32 @p2 $0x1  }
0x17: {  	s4 =	simm.s32 $0x1BF5;
	[smem:$0x3FB3] =	sst s0  }
0x18: {  	s0 =	sld [smem:$0x3F96];
	_ =	swait.ge [sflag:s4], $0x0  }
0x19: {  	s7 =	sld [smem:$0x3F97]  }
0x1a: {  	s8 =	sadd.s32 $0xFFFFE003, lr  }
0x1b: {  	s9 =	sadd.s32 $0xFFFFFEF7, lr;
	s5 =	simm.s32 $0xFFFFFFFF;
	p2 =	slt.u32 s8, $0xFFFFF086  }
0x1c: {  	p1 =	slt.u32 s9, $0xF7A;
	s5 =	simm.s32 @!p2 $0x0  }
0x1d: {  	s5 =	simm.s32 @p1 $0x1;
	p0 =	seq.s32 s7, s2  }
0x1e: {  	s7 =	smul.u32 @!p0 $0xF7A, s2;
	p2 =	seq.s32 @!p0 s5, $0x0  }
0x1f: {  	s9 =	smul.u32 $0xF7A, s1;
	s8 =	simm.s32 @!p0 $0x1BF5;
	p2 =	por !p2, p0  }
0x20: {  	[sflag:s8] =	ssyncset.s32 @!p0 $0xFFFFF086;
	s6 =	sadd.s32 @!p0 s3, s7;
	s7 =	simm.s32 @!p0 $0x108  }
0x21: {  	s3 =	sadd.s32 s3, s9;
	s6 =	sadd.s32 @!p0 $0x88, s6;
	s7 =	simm.s32 @p2 $0x1082  }
0x22: {  	[simem:s7], [sflag:s8] =	dma.local @!p0 [hbm:s6], $0xF7A  }
0x23: {  	s9 =	sor.u32 $0xD0000000, s2;
	s6 =	simm.s32 $0x108;
	_ =	swait.ge @!p0 [sflag:s8], $0x0  }
0x24: {  	s3 =	sadd.s32 $0x88, s3;
	s6 =	simm.s32 @!p1 $0x1082;
	[sflag:s4] =	ssyncset.s32 $0xFFFFF086  }
0x25: {  	[simem:s6], [sflag:s4] =	dma.local [hbm:s3], $0xF7A  }
0x26: {  	[smem:$0x3F97] =	sst s1;
	(tag) =	ssettag s2;
	_ =	strace s9  }
0x27: {  	s1 =	sld [smem:$0x3FA7]  }
0x28: {  	s2 =	sld [smem:$0x3FA8]  }
0x29: {  	s4 =	sld [smem:$0x3FAA]  }
0x2a: {  	p0 =	seq.s32 s5, $0x0;
	s5 =	sld [smem:$0x3FAB]  }
0x2b: {  	s6 =	sld [smem:$0x3FAC]  }
0x2c: {  	s7 =	sld [smem:$0x3FAD]  }
0x2d: {  	s3 =	simm.s32 $0x108;
	s8 =	sld [smem:$0x3FAE]  }
0x2e: {  	s3 =	simm.s32 @!p0 $0x1082;
	s9 =	sld [smem:$0x3FAF]  }
0x2f: {  	lr =	sadd.s32 s0, s3;
	s0 =	sld [smem:$0x3FA6]  }
0x30: {  	s3 =	sld [smem:$0x3FA9]  }
0x31: {  	[smem:$0x3FB2] =	sst s10  }
0x32: {  	s10 =	sld [smem:$0x3FB0];
	_ =	sdelay $0x3  }
0x33: {  	p0 =	seq.s32 s10, $0x1;
	s10 =	sld [smem:$0x3FB2];
	_ =	sdelay $0x3  }
0x34: {  	[smem:$0x3FB2] =	sst s10  }
0x35: {  	s10 =	sld [smem:$0x3FB1];
	_ =	sdelay $0x3  }
0x36: {  	p1 =	seq.s32 s10, $0x1;
	s10 =	sld [smem:$0x3FB2];
	_ =	sdelay $0x3  }
0x37: {  	[smem:$0x3FB2] =	sst s10  }
0x38: {  	s10 =	sld [smem:$0x3FB3]  }
0x39: {  	_ = 	snop;
	(pc) =	sbr.ind lr, $3  }
0x3a: {  	_ = 	snop  }
0x3b: {  	_ = 	snop  }
0x3c: {  	p2 =	seq.s32 s10, $0x1;
	s10 =	sld [smem:$0x3FB2]  }
0x3d: {  	_ =	shalt  }
0x3e: {  	_ =	shalt  }
0x3f: {  	_ =	shalt  }
0x40: {  	_ =	shalt  }
0x41: {  	_ =	shalt  }
0x42: {  	_ =	shalt  }
0x43: {  	_ =	shalt  }
0x44: {  	_ =	shalt  }
0x45: {  	_ =	shalt  }
0x46: {  	_ =	shalt  }
0x47: {  	_ =	shalt  }
0x48: {  	_ =	shalt  }
0x49: {  	_ =	shalt  }
0x4a: {  	_ =	shalt  }
0x4b: {  	_ =	shalt  }
0x4c: {  	_ =	shalt  }
0x4d: {  	_ =	shalt  }
0x4e: {  	_ =	shalt  }
0x4f: {  	_ =	shalt  }
0x50: {  	_ =	shalt  }
0x51: {  	_ =	shalt  }
0x52: {  	_ =	shalt  }
0x53: {  	_ =	shalt  }
0x54: {  	_ =	shalt  }
0x55: {  	_ =	shalt  }
0x56: {  	_ =	shalt  }
0x57: {  	_ =	shalt  }
0x58: {  	_ =	shalt  }
0x59: {  	_ =	shalt  }
0x5a: {  	_ =	shalt  }
0x5b: {  	_ =	shalt  }
0x5c: {  	_ =	shalt  }
0x5d: {  	_ =	shalt  }
0x5e: {  	_ =	shalt  }
0x5f: {  	_ =	shalt  }
0x60: {  	_ =	shalt  }
0x61: {  	_ =	shalt  }
0x62: {  	_ =	shalt  }
0x63: {  	_ =	shalt  }
0x64: {  	_ =	shalt  }
0x65: {  	_ =	shalt  }
0x66: {  	_ =	shalt  }
0x67: {  	_ =	shalt  }
0x68: {  	_ =	shalt  }
0x69: {  	_ =	shalt  }
0x6a: {  	_ =	shalt  }
0x6b: {  	_ =	shalt  }
0x6c: {  	_ =	shalt  }
0x6d: {  	_ =	shalt  }
0x6e: {  	_ =	shalt  }
0x6f: {  	_ =	shalt  }
0x70: {  	_ =	shalt  }
0x71: {  	_ =	shalt  }
0x72: {  	_ =	shalt  }
0x73: {  	_ =	shalt  }
0x74: {  	_ =	shalt  }
0x75: {  	_ =	shalt  }
0x76: {  	_ =	shalt  }
0x77: {  	_ =	shalt  }
0x78: {  	_ =	shalt  }
0x79: {  	_ =	shalt  }
0x7a: {  	_ =	shalt  }
0x7b: {  	_ =	shalt  }
0x7c: {  	_ =	shalt  }
0x7d: {  	_ =	shalt  }
0x7e: {  	_ =	shalt  }
0x7f: {  	_ =	shalt  }
0x80: {  	_ =	shalt  }
0x81: {  	_ =	shalt  }
0x82: {  	_ =	shalt  }
0x83: {  	_ =	shalt  }
0x84: {  	_ =	shalt  }
0x85: {  	_ =	shalt  }
0x86: {  	_ =	shalt  }
0x87: {  	_ =	shalt  }
.Lfunc_end0:
.L_simem_size_0:
called_computation_lowered:
.L_overlay_start_0:
0x88: {  	s2 =	sld [smem:$0x3FD9]  }
0x89: {  	s3 =	sld [smem:$0x3FFE];
	_ =	sdelay $0x1  }
0x8a: {  	s1 =	srdreg.scid  }
0x8b: {  	s0 =	sand.u32 $0x1, s1  }
0x8c: {  	s17 =	sshll.u32 s0, $0xA;
	s2 =	sadd.s32 s3, s2  }
0x8d: {  	s2 =	sadd.s32 s2, s17  }
0x8e: {  	[smem:$0x3FBE] =	sst s2  }
0x8f: {  	_ = 	snop  }
0x90: {  	s2 =	sld [smem:$0x3FD0];
	(tm) =	ssettm $0x1  }
0x91: {  	s18 =	sld [smem:$0x3FFB];
	_ =	sdelay $0x3  }
0x92: {  	_ =	strace s18  }
0x93: {  	s3 =	sld [smem:$0x3FFC];
	_ =	sdelay $0x3  }
0x94: {  	_ =	strace s3  }
0x95: {  	s3 =	sld [smem:$0x3FFD];
	_ =	sdelay $0x3  }
0x96: {  	_ =	strace s3  }
0x97: {  	_ =	strace $0x8FFFFFFF  }
0x98: {  	s19 =	sld [smem:$0x3FDB];
	_ =	sdelay $0x1  }
0x99: {  	s4 =	simm.s32 $_scs_section_size  }
0x9a: {  	s5 =	simm.s32 $_size__tile_overlayer_lowered;
	s6 =	simm.s32 $_tile_overlayer_lowered  }
0x9b: {  	s22 =	simm.s32 $0x1BFF;
	s21 =	sshll.u32 s6, $0x1;
	s3 =	sadd.s32 s4, s19  }
0x9c: {  	s7 =	simm.s32 $0x0;
	s20 =	sshll.u32 s5, $0x1;
	s5 =	sadd.s32 s21, s3  }
0x9d: {  	[timem:s7], [sflag:s22] =	dma.local [hbm:s5], s20  }
0x9e: {  	_ =	swait.ge [sflag:s22], s20  }
0x9f: {  	s4 =	ssub.s32 $0x0, s20;
	[sflag:s22] =	ssyncset.done $0x0  }
0xa0: {  	[sflag:s22] =	ssyncadd.s32 s4;
	_ =	sdelay $0x1  }
0xa1: {  	s23 =	simm.s32 $0x1B8B  }
0xa2: {  	_ =	swait.ge [sflag:s23], $0x1  }
0xa3: {  	[sflag:s23] =	ssyncset.done $0x0  }
0xa4: {  	s25 =	simm.s32 $0x1B8E;
	s24 =	sld [smem:$0x3FFE];
	[sflag:s23] =	ssyncadd.s32 $0xFFFFFFFF  }
0xa5: {  	s26 =	simm.s32 $execute0_lowered;
	[smem:$0x3FD2] =	sst s25  }
0xa6: {  	s5 =	sshll.u32 s26, $0x1;
	_ =	strace $0x80000046;
	[dreg:$0x1] =	wrdreg $0xFFFFFFFF  }
0xa7: {  	s28 =	simm.s32 $_size_execute0_lowered;
	s3 =	sadd.s32 s3, s5;
	[dreg:$0x0] =	wrdreg $0x0  }
0xa8: {  	s5 =	sshll.u32 s28, $0x1;
	[dreg:$0x2] =	wrdreg s3  }
0xa9: {  	[dreg:$0x3] =	wrdreg s5  }
0xaa: {  	[dreg:$0x4] =	wrdreg $0xC0  }
0xab: {  	_ =	task [dreg:s7], $0x5FFFF  }
0xac: {  	[dreg:$0x1] =	wrdreg $0xFFFFFFFF  }
0xad: {  	[dreg:$0x0] =	wrdreg $0x60  }
0xae: {  	[dreg:$0x2] =	wrdreg s24  }
0xaf: {  	[dreg:$0x3] =	wrdreg s2  }
0xb0: {  	[dreg:$0x4] =	wrdreg $0x32A00  }
0xb1: {  	[dreg:$0x5] =	wrdreg $0xCEE00  }
0xb2: {  	[dreg:$0x6] =	wrdreg $0x9  }
0xb3: {  	_ =	task.clear_ibuf [dreg:s7], $0x7FFFF;
	_ =	strace $0x90000046  }
0xb4: {  	s29 =	simm.s32 $0x9;
	_ =	strace $0x80000048  }
0xb5: {  	_ =	swait.ge [sflag:s29], $0x1  }
0xb6: {  	[sflag:s29] =	ssyncadd.s32 $0xFFFFFFFF  }
0xb7: {  	_ =	strace $0x90000048  }
0xb8: {  	_ =	sfence  }
0xb9: {  	s30 =	sld [smem:$0x0];
	_ =	sdelay $0x2  }
0xba: {  	s31 =	sshll.u32 s1, $0xD;
	s1 =	sshrl.u32 s1, $0x2  }
0xbb: {  	s3 =	sand.u32 $0x4000, s31;
	s1 =	sadd.s32 s1, s30  }
0xbc: {  	s0 =	sor.u32 s3, s0;
	s1 =	sshll.u32 s1, $0x11  }
0xbd: {  	s0 =	sor.u32 s1, s0  }
0xbe: {  	s0 =	sadd.s32 $0x8F2B, s0  }
0xbf: {  	[sflag:s0] =	ssyncadd.remote.s32 $0x1  }
0xc0: {  	_ =	sfence.sel $0xFFFF  }
0xc1: {  	[dreg:$0x0] =	wrdreg $0xFFFFFFFF;
	(pc) =	sbr.abs _section_cstart, $3  }
0xc2: {  	[dreg:$0x1] =	wrdreg $0xFFFFFFFF  }
0xc3: {  	_ =	task.clear_ibuf [dreg:s7], $0x2FFFF;
	_ =	strace $0x9FFFFFFF  }
0xc4: {  	(tm) =	ssettm $0x7FFFFFFF  }
0xc5: {  	_ =	shalt  }
tec
execute0_lowered:
.L_overlay_start_1:
0x0: {  	(tag) =	ssettag $0x1  }
0x1: {  	s0 =	rddreg [dreg:$0x0]  }
0x2: {  	s1 =	rddreg [dreg:$0x1]  }
0x3: {  	s2 =	rddreg [dreg:$0x2]  }
0x4: {  	s3 =	rddreg [dreg:$0x3];
	s16 =	stileid.u32  }
0x5: {  	s4 =	simm.s32 $0x0;
	s5 =	srdreg.scid;
	s6 =	smul.u32 $0x2700, s16  }
0x6: {  	[smem:$0x7FF] =	sst s4;
	s8 =	smul.u32 $0x270, s16  }
0x7: {  	s7 =	sand.u32 $0x1, s5;
	s10 =	smul.u32 $0x9C00, s16;
	p0 =	sne.s32 s16, $0xF  }
0x8: {  	s28 =	sadd.s32 $0x5A400, s0;
	s29 =	sadd.s32 $0x50600, s0;
	s30 =	sadd.s32 $0x69000, s0  }
0x9: {  	s9 =	ssub.s32 $0x2, s7;
	_ =	strace $0x80000047;
	s23 =	smul.u32 $0x13880, s7  }
0xa: {  	p1 =	sne.s32 s7, $0x0;
	p2 =	sne.s32 @!p0 s7, $0x0;
	s7 =	sadd.s32 $0x27000, s3  }
0xb: {  	s24 =	sshrl.u32 s6, $0x3;
	s25 =	sshrl.u32 s9, $0x1;
	s5 =	sadd.s32 s10, s2  }
0xc: {  	s12 =	sadd.s32 $0x50, s8;
	s6 =	sadd.s32 s6, s3;
	s14 =	sadd.s32 $0xA0, s8  }
0xd: {  	s17 =	sadd.s32 $0xF0, s8;
	s18 =	sadd.s32 $0x140, s8;
	s22 =	sadd.s32 $0x190, s8  }
0xe: {  	p2 =	por p2, p0;
	s11 =	sadd.s32 s24, s0;
	s9 =	ssub.s32 s9, s25  }
0xf: {  	s13 =	sshll.u32 s12, $0x6;
	s12 =	sshll.u32 s12, $0x4;
	s26 =	sshll.u32 s14, $0x6  }
0x10: {  	s15 =	sshll.u32 s14, $0x4;
	s19 =	sshll.u32 s17, $0x6;
	s21 =	sshll.u32 s18, $0x4  }
0x11: {  	s24 =	sshll.u32 s22, $0x6;
	s25 =	sadd.s32 $0x1E0, s8;
	s8 =	sadd.s32 $0x230, s8  }
0x12: {  	s13 =	sadd.s32 s13, s2;
	s12 =	sadd.s32 s12, s3;
	s14 =	sadd.s32 s19, s2  }
0x13: {  	s31 =	smax.u32 s9, $0x1;
	s9 =	simm.s32 $0xA0;
	[dreg:$0x5] =	wrdreg s13  }
0x14: {  	[dreg:$0x6] =	wrdreg s12;
	s13 =	sadd.s32 s26, s2;
	s12 =	sadd.s32 s15, s3  }
0x15: {  	s15 =	sshll.u32 s18, $0x6;
	[dreg:$0x9] =	wrdreg s14;
	s14 =	sadd.s32 s1, s23  }
0x16: {  	s26 =	sshll.u32 s25, $0x6;
	s18 =	sshll.u32 s8, $0x6;
	[dreg:$0x7] =	wrdreg s13  }
0x17: {  	s23 =	sadd.s32 $0x3CC00, s0;
	[dreg:$0x8] =	wrdreg s12;
	s12 =	sshll.u32 s17, $0x4  }
0x18: {  	s20 =	sadd.s32 s15, s2;
	s13 =	sshll.u32 s22, $0x4;
	s1 =	sadd.s32 s26, s2  }
0x19: {  	s17 =	sshll.u32 s25, $0x4;
	s19 =	sadd.s32 s18, s2;
	s26 =	sadd.s32 $0x64200, s11  }
0x1a: {  	s25 =	sadd.s32 $0x15800, s0;
	s22 =	smov.u32 s14;
	[dreg:$0xb] =	wrdreg s20  }
0x1b: {  	s11 =	simm.s32 $0x2DA0;
	s12 =	sadd.s32 s12, s3;
	[dreg:$0xf] =	wrdreg s1  }
0x1c: {  	s13 =	sadd.s32 s13, s3;
	s1 =	sadd.s32 s17, s3;
	[dreg:$0x11] =	wrdreg s19  }
0x1d: {  	s20 =	sshll.u32 s8, $0x4;
	[dreg:$0x13] =	wrdreg s26;
	s26 =	sadd.s32 $0x1E00, s0  }
0x1e: {  	s8 =	smul.u32 $0x4E20, s16;
	s16 =	simm.s32 $0x2;
	[dreg:$0xa] =	wrdreg s12  }
0x1f: {  	s17 =	simm.s32 $0x28A0;
	s12 =	sadd.s32 s21, s3;
	[dreg:$0xe] =	wrdreg s13  }
.Ltmp0:
0x20: {  	[dreg:$0x10] =	wrdreg s1;
	s1 =	sadd.s32 s20, s3;
	(pc) =	sbr.rel .LBB2_1-.Ltmp0, $4  }
0x21: {  	s21 =	sshrl.u32 s10, $0x3;
	s10 =	simm.s32 $0x3;
	[dreg:$0xc] =	wrdreg s12  }
0x22: {  	s13 =	simm.s32 $0x14A0;
	s12 =	sadd.s32 s24, s2;
	[dreg:$0x12] =	wrdreg s1  }
0x23: {  	s24 =	sadd.s32 $0x29200, s0;
	s0 =	sadd.s32 s21, s14;
	s1 =	sadd.s32 $0x9C000, s2  }
0x24: {  	v0 =	vimm.f32 $0.0e+00;
	v1 =	vimm.f32 $1.000000000e+00;
	s14 =	simm.s32 $0x1;
	[dreg:$0xd] =	wrdreg s12;
	s12 =	simm.s32 $0x50  }
.LBB2_10:
0x25: {  	s15 =	stileid.u32  }
0x26: {  	s15 =	sshll.u32 s15, $0x6  }
0x27: {  	[bflag:$0x0] =	sbarrier.arrive $0xFFFF;
	s18 =	sshrl.u32 s5, $0x3;
	s15 =	sor.u32 $0x1C03, s15  }
0x28: {  	[hbm:s0], [sflag:s15] =	dma.local [spmem:s18], $0x1380  }
0x29: {  	_ =	swait.ge [sflag:s10], $0x1380  }
0x2a: {  	[sflag:s10] =	ssyncset.done $0x0  }
0x2b: {  	s18 =	sshrl.u32 @!p1 s6, $0x3;
	s19 =	rddreg [dreg:$0x13];
	[sflag:s10] =	ssyncadd.s32 $0xFFFFEC80  }
0x2c: {  	[hbm:s19], [sflag:s15] =	dma.local @!p1 [spmem:s18], $0x4E0  }
0x2d: {  	s18 =	simm.s32 @!p1 $0x3  }
0x2e: {  	_ =	swait.ge @!p1 [sflag:s18], $0x4E0  }
0x2f: {  	[sflag:s18] =	ssyncset.done @!p1 $0x0  }
0x30: {  	s19 =	sshrl.u32 @!p0 s1, $0x3;
	[sflag:s18] =	ssyncadd.s32 @!p1 $0xFFFFFB20;
	s18 =	sadd.s32 @!p0 $0x13800, s22  }
0x31: {  	[hbm:s18], [sflag:s15] =	dma.local @!p0 [spmem:s19], $0x80  }
0x32: {  	s18 =	simm.s32 @!p0 $0x3  }
0x33: {  	_ =	swait.ge @!p0 [sflag:s18], $0x80  }
0x34: {  	s4 =	sadd.s32 $0x1, s4;
	[sflag:s18] =	ssyncset.done @!p0 $0x0  }
0x35: {  	p3 =	sne.s32 s4, s31;
	[sflag:s18] =	ssyncadd.s32 @!p0 $0xFFFFFF80;
	s18 =	sshrl.u32 @!p2 s7, $0x3  }
0x36: {  	[hbm:s30], [sflag:s15] =	dma.local @!p2 [spmem:s18], $0x20  }
.Ltmp1:
0x37: {  	_ = 	snop;
	(pc) =	sbr.rel @!p3 .LBB2_11-.Ltmp1, $4  }
0x38: {  	s15 =	simm.s32 @!p2 $0x3  }
0x39: {  	_ =	swait.ge @!p2 [sflag:s15], $0x20  }
0x3a: {  	[sflag:s15] =	ssyncset.done @!p2 $0x0  }
0x3b: {  	[sflag:s15] =	ssyncadd.s32 @!p2 $0xFFFFFFE0  }
.LBB2_1:
0x3c: {  	s15 =	simm.s32 $0xC0  }
0x3d: {  	[tilespmem:s15+$0xFFFFFFE0] =	vst v0  }
0x3e: {  	[tilespmem:s15+$0x10] =	vst v0  }
0x3f: {  	[tilespmem:s15+$0x0] =	vst v0  }
0x40: {  	s18 =	simm.s32 $0x40;
	s19 =	simm.s32 $0x0;
	[tilespmem:s15+$0xFFFFFFF0] =	vst v0  }
.LBB2_2:
0x41: {  	p3 =	sne.s32 s18, $0x13C0  }
0x42: {  	[tilespmem:s19+$0x28A0] =	vst v1;
	s15 =	sadd.s32 $0x40, s15;
	s20 =	smov.u32 s18;
	s18 =	sadd.s32 $0x40, s18  }
.Ltmp2:
0x43: {  	[tilespmem:s19+$0x2DA0] =	vst v0;
	(pc) =	sbr.rel @p3 .LBB2_2-.Ltmp2, $4  }
0x44: {  	[tilespmem:s15+$0xFFFFFFE0] =	vst v0  }
0x45: {  	[tilespmem:s15+$0x10] =	vst v0  }
0x46: {  	[tilespmem:s15+$0x0] =	vst v0  }
0x47: {  	s19 =	sshra.s32 s20, $0x2;
	[tilespmem:s15+$0xFFFFFFF0] =	vst v0  }
0x48: {  	[tilespmem:s19+$0x28A0] =	vst v1  }
0x49: {  	[tilespmem:s19+$0x2DA0] =	vst v0  }
0x4a: {  	[spmem:s5] =	stream.linear.scatter [tilespmem:s9], [sflag:$0x3], $0x1400, $0x38;
	[tilespmem:$0xF5F0] =	vst v63  }
0x4b: {  	_ =	swait.ge [sflag:s10], $0x1400  }
0x4c: {  	[sflag:s10] =	ssyncset.done $0x0  }
0x4d: {  	[sflag:s10] =	ssyncadd.s32 $0xFFFFEC00  }
0x4e: {  	[spmem:s6] =	stream.linear.scatter [tilespmem:s11], [sflag:$0x3], $0x500, $0x38;
	[tilespmem:$0xF5F0] =	vst v63  }
0x4f: {  	_ =	swait.ge [sflag:s10], $0x500  }
0x50: {  	[sflag:s10] =	ssyncset.done $0x0  }
0x51: {  	s15 =	rddreg [dreg:$0x5];
	[sflag:s10] =	ssyncadd.s32 $0xFFFFFB00  }
0x52: {  	[spmem:s15] =	stream.linear.scatter [tilespmem:s9], [sflag:$0x3], $0x1400, $0x38;
	[tilespmem:$0xF5F0] =	vst v63  }
0x53: {  	_ =	swait.ge [sflag:s10], $0x1400  }
0x54: {  	[sflag:s10] =	ssyncset.done $0x0  }
0x55: {  	s21 =	rddreg [dreg:$0x6];
	[sflag:s10] =	ssyncadd.s32 $0xFFFFEC00  }
0x56: {  	[spmem:s21] =	stream.linear.scatter [tilespmem:s11], [sflag:$0x3], $0x500, $0x38;
	[tilespmem:$0xF5F0] =	vst v63  }
0x57: {  	_ =	swait.ge [sflag:s10], $0x500  }
0x58: {  	[sflag:s10] =	ssyncset.done $0x0  }
0x59: {  	s18 =	rddreg [dreg:$0x7];
	[sflag:s10] =	ssyncadd.s32 $0xFFFFFB00  }
0x5a: {  	[spmem:s18] =	stream.linear.scatter [tilespmem:s9], [sflag:$0x3], $0x1400, $0x38;
	[tilespmem:$0xF5F0] =	vst v63  }
0x5b: {  	_ =	swait.ge [sflag:s10], $0x1400  }
0x5c: {  	[sflag:s10] =	ssyncset.done $0x0  }
0x5d: {  	s19 =	rddreg [dreg:$0x8];
	[sflag:s10] =	ssyncadd.s32 $0xFFFFEC00  }
0x5e: {  	[spmem:s19] =	stream.linear.scatter [tilespmem:s11], [sflag:$0x3], $0x500, $0x38;
	[tilespmem:$0xF5F0] =	vst v63  }
0x5f: {  	_ =	swait.ge [sflag:s10], $0x500  }
0x60: {  	[sflag:s10] =	ssyncset.done $0x0  }
0x61: {  	s20 =	rddreg [dreg:$0x9];
	[sflag:s10] =	ssyncadd.s32 $0xFFFFFB00  }
0x62: {  	[spmem:s20] =	stream.linear.scatter [tilespmem:s9], [sflag:$0x3], $0x1400, $0x38;
	[tilespmem:$0xF5F0] =	vst v63  }
0x63: {  	_ =	swait.ge [sflag:s10], $0x1400  }
0x64: {  	[sflag:s10] =	ssyncset.done $0x0  }
0x65: {  	s21 =	rddreg [dreg:$0xa];
	[sflag:s10] =	ssyncadd.s32 $0xFFFFEC00  }
0x66: {  	[spmem:s21] =	stream.linear.scatter [tilespmem:s11], [sflag:$0x3], $0x500, $0x38;
	[tilespmem:$0xF5F0] =	vst v63  }
0x67: {  	_ =	swait.ge [sflag:s10], $0x500  }
0x68: {  	[sflag:s10] =	ssyncset.done $0x0  }
0x69: {  	s18 =	rddreg [dreg:$0xb];
	[sflag:s10] =	ssyncadd.s32 $0xFFFFFB00  }
0x6a: {  	[spmem:s18] =	stream.linear.scatter [tilespmem:s9], [sflag:$0x3], $0x1400, $0x38;
	[tilespmem:$0xF5F0] =	vst v63  }
0x6b: {  	_ =	swait.ge [sflag:s10], $0x1400  }
0x6c: {  	[sflag:s10] =	ssyncset.done $0x0  }
0x6d: {  	s19 =	rddreg [dreg:$0xc];
	[sflag:s10] =	ssyncadd.s32 $0xFFFFEC00  }
0x6e: {  	[spmem:s19] =	stream.linear.scatter [tilespmem:s11], [sflag:$0x3], $0x500, $0x38;
	[tilespmem:$0xF5F0] =	vst v63  }
0x6f: {  	_ =	swait.ge [sflag:s10], $0x500  }
0x70: {  	[sflag:s10] =	ssyncset.done $0x0  }
0x71: {  	s20 =	rddreg [dreg:$0xd];
	[sflag:s10] =	ssyncadd.s32 $0xFFFFFB00  }
0x72: {  	[spmem:s20] =	stream.linear.scatter [tilespmem:s9], [sflag:$0x3], $0x1400, $0x38;
	[tilespmem:$0xF5F0] =	vst v63  }
0x73: {  	_ =	swait.ge [sflag:s10], $0x1400  }
0x74: {  	[sflag:s10] =	ssyncset.done $0x0  }
0x75: {  	s21 =	rddreg [dreg:$0xe];
	[sflag:s10] =	ssyncadd.s32 $0xFFFFEC00  }
0x76: {  	[spmem:s21] =	stream.linear.scatter [tilespmem:s11], [sflag:$0x3], $0x500, $0x38;
	[tilespmem:$0xF5F0] =	vst v63  }
0x77: {  	_ =	swait.ge [sflag:s10], $0x500  }
0x78: {  	[sflag:s10] =	ssyncset.done $0x0  }
0x79: {  	s18 =	rddreg [dreg:$0xf];
	[sflag:s10] =	ssyncadd.s32 $0xFFFFFB00  }
0x7a: {  	[spmem:s18] =	stream.linear.scatter [tilespmem:s9], [sflag:$0x3], $0x1400, $0x38;
	[tilespmem:$0xF5F0] =	vst v63  }
0x7b: {  	_ =	swait.ge [sflag:s10], $0x1400  }
0x7c: {  	[sflag:s10] =	ssyncset.done $0x0  }
0x7d: {  	s19 =	rddreg [dreg:$0x10];
	[sflag:s10] =	ssyncadd.s32 $0xFFFFEC00  }
0x7e: {  	[spmem:s19] =	stream.linear.scatter [tilespmem:s11], [sflag:$0x3], $0x500, $0x38;
	[tilespmem:$0xF5F0] =	vst v63  }
0x7f: {  	_ =	swait.ge [sflag:s10], $0x500  }
0x80: {  	[sflag:s10] =	ssyncset.done $0x0  }
0x81: {  	s20 =	rddreg [dreg:$0x11];
	[sflag:s10] =	ssyncadd.s32 $0xFFFFFB00  }
0x82: {  	[spmem:s20] =	stream.linear.scatter [tilespmem:s9], [sflag:$0x3], $0x1000, $0x38;
	[tilespmem:$0xF5F0] =	vst v63  }
0x83: {  	_ =	swait.ge [sflag:s10], $0x1000  }
0x84: {  	[sflag:s10] =	ssyncset.done $0x0  }
0x85: {  	s21 =	rddreg [dreg:$0x12];
	[sflag:s10] =	ssyncadd.s32 $0xFFFFF000  }
0x86: {  	[spmem:s21] =	stream.linear.scatter [tilespmem:s11], [sflag:$0x3], $0x400, $0x38;
	[tilespmem:$0xF5F0] =	vst v63  }
0x87: {  	_ =	swait.ge [sflag:s10], $0x400  }
0x88: {  	[sflag:s10] =	ssyncset.done $0x0  }
0x89: {  	s15 =	simm.s32 @!p0 $0xA0;
	[sflag:s10] =	ssyncadd.s32 $0xFFFFFC00  }
0x8a: {  	[spmem:s1] =	stream.linear.scatter @!p0 [tilespmem:s15], [sflag:$0x3], $0x400, $0x38;
	[tilespmem:$0xF5F0] =	vst v63  }
0x8b: {  	s15 =	simm.s32 @!p0 $0x3  }
0x8c: {  	_ =	swait.ge @!p0 [sflag:s15], $0x400  }
0x8d: {  	[sflag:s15] =	ssyncset.done @!p0 $0x0  }
0x8e: {  	s18 =	simm.s32 @!p0 $0x2DA0;
	[sflag:s15] =	ssyncadd.s32 @!p0 $0xFFFFFC00  }
0x8f: {  	[spmem:s7] =	stream.linear.scatter @!p0 [tilespmem:s18], [sflag:$0x3], $0x100, $0x38;
	[tilespmem:$0xF5F0] =	vst v63  }
.Ltmp3:
0x90: {  	_ =	swait.ge @!p0 [sflag:s15], $0x100;
	(pc) =	sbr.rel @p1 .LBB2_7-.Ltmp3, $4  }
0x91: {  	[sflag:s15] =	ssyncset.done @!p0 $0x0  }
0x92: {  	[sflag:s15] =	ssyncadd.s32 @!p0 $0xFFFFFF00  }
0x93: {  	[bflag:$0x0] =	sbarrier.arrive $0xFFFF  }
0x94: {  	s19 =	simm.s32 $0x0;
	s18 =	simm.s32 $0x0;
	s15 =	simm.s32 $0x0  }
.LBB2_4:
0x95: {  	s15 =	smul.u32 $0x50, s19;
	_ =	sdelay $0x1  }
0x96: {  	s15 =	sadd.s32 s8, s15  }
0x97: {  	s15 =	sshrl.u32 s15, $0x3  }
0x98: {  	s20 =	sadd.s32 s28, s15  }
0x99: {  	[tilespmem:s18], [sflag:$0x3] =	stream.linear.gather [hbm4b:s20+s18], $0x50, $0x38;
	[tilespmem:$0xF5F0] =	vst v63  }
0x9a: {  	_ =	swait.ge [sflag:s10], $0x50  }
0x9b: {  	[sflag:s10] =	ssyncset.done $0x0  }
0x9c: {  	s15 =	sadd.s32 s29, s15;
	[sflag:s10] =	ssyncadd.s32 $0xFFFFFFB0  }
0x9d: {  	[tilespmem:s12], [sflag:$0x3] =	stream.linear.gather [hbm4b:s15+s18], $0x50, $0x38;
	[tilespmem:$0xF5F0] =	vst v63  }
0x9e: {  	_ =	swait.ge [sflag:s10], $0x50  }
0x9f: {  	[sflag:s10] =	ssyncset.done $0x0  }
0xa0: {  	[sflag:s10] =	ssyncadd.s32 $0xFFFFFFB0  }
0xa1: {  	[tilespmem:s9], [sflag:$0x1] =	stream.indirect.gather [hbm4b:s23+s12], $0x40, s18, s12, $0xb8;
	[tilespmem:$0xF5F0] =	vst v63  }
0xa2: {  	_ = 	snop  }
0xa3: {  	[tilespmem:s13], [sflag:$0x2] =	stream.indirect.gather [hbm4b:s24+s12], $0x40, s12, s12, $0xb8;
	[tilespmem:$0xF5F0] =	vst v63  }
0xa4: {  	_ =	swait.ge [sflag:s14], $0x1400  }
0xa5: {  	[sflag:s14] =	ssyncset.done $0x0  }
0xa6: {  	[sflag:s14] =	ssyncadd.s32 $0xFFFFEC00  }
0xa7: {  	_ =	swait.ge [sflag:s16], $0x1400  }
0xa8: {  	[sflag:s16] =	ssyncset.done $0x0  }
0xa9: {  	s15 =	simm.s32 $0x0;
	[sflag:s16] =	ssyncadd.s32 $0xFFFFEC00  }
0xaa: {  	v4 =	vld [tilespmem:s15+$0xA0]  }
0xab: {  	v5 =	vld [tilespmem:s15+$0xB0]  }
0xac: {  	v3 =	vld [tilespmem:s15+$0xC0]  }
0xad: {  	v2 =	vld [tilespmem:s15+$0xD0]  }
0xae: {  	v6 =	vld [tilespmem:s15+$0x14A0]  }
0xaf: {  	v8 =	vld [tilespmem:s15+$0x14B0]  }
0xb0: {  	s20 =	simm.s32 $0x100;
	v7 =	vld [tilespmem:s15+$0x14C0]  }
.LBB2_5:
0xb1: {  	p3 =	sne.s32 s20, $0x4F00;
	v9 =	vld [tilespmem:s15+$0x14D0]  }
0xb2: {  	s21 =	sshra.s32 s20, $0x2  }
0xb3: {  	v6 =	vadd.f32 v6, v4;
	v4 =	vld [tilespmem:s21+$0xA0]  }
0xb4: {  	v8 =	vadd.f32 v8, v5;
	v5 =	vld [tilespmem:s21+$0xB0]  }
.Ltmp4:
0xb5: {  	v6 =	vmax.f32 v6, $0.0e+00;
	v7 =	vadd.f32 v7, v3;
	v3 =	vld [tilespmem:s21+$0xC0];
	(pc) =	sbr.rel @p3 .LBB2_5-.Ltmp4, $4  }
0xb6: {  	[tilespmem:s15+$0x14A0] =	vst v6;
	v8 =	vmax.f32 v8, $0.0e+00;
	v9 =	vadd.f32 v9, v2;
	v2 =	vld [tilespmem:s21+$0xD0]  }
0xb7: {  	v6 =	vld [tilespmem:s21+$0x14A0];
	[tilespmem:s15+$0x14B0] =	vst v8;
	v7 =	vmax.f32 v7, $0.0e+00  }
0xb8: {  	v8 =	vld [tilespmem:s21+$0x14B0];
	[tilespmem:s15+$0x14C0] =	vst v7;
	v9 =	vmax.f32 v9, $0.0e+00  }
0xb9: {  	s20 =	sadd.s32 $0x100, s20;
	v7 =	vld [tilespmem:s21+$0x14C0];
	[tilespmem:s15+$0x14D0] =	vst v9;
	s15 =	smov.u32 s21  }
0xba: {  	v9 =	vld [tilespmem:s15+$0x14D0];
	_ =	sdelay $0x1  }
0xbb: {  	v4 =	vadd.f32 v6, v4  }
0xbc: {  	v5 =	vadd.f32 v8, v5  }
0xbd: {  	v4 =	vmax.f32 v4, $0.0e+00;
	v3 =	vadd.f32 v7, v3  }
0xbe: {  	[tilespmem:s15+$0x14A0] =	vst v4;
	v63 =	vmax.f32 v5, $0.0e+00;
	v2 =	vadd.f32 v9, v2  }
0xbf: {  	[tilespmem:s15+$0x14B0] =	vst v63;
	v3 =	vmax.f32 v3, $0.0e+00  }
0xc0: {  	[tilespmem:s15+$0x14C0] =	vst v3;
	v2 =	vmax.f32 v2, $0.0e+00  }
0xc1: {  	[tilespmem:s15+$0x14D0] =	vst v2  }
0xc2: {  	[spmem:s2] =	stream.indirect.scatter.add.f32 [tilespmem:s13], [sflag:$0x3], $0x40, s12, s12, $0xb8;
	[tilespmem:$0xF5F0] =	vst v63  }
0xc3: {  	_ =	swait.ge [sflag:s10], $0x1400  }
0xc4: {  	s19 =	sadd.s32 $0x1, s19;
	[sflag:s10] =	ssyncset.done $0x0  }
0xc5: {  	p3 =	seq.s32 s19, $0xFA;
	[sflag:s10] =	ssyncadd.s32 $0xFFFFEC00  }
0xc6: {  	[spmem:s3] =	stream.indirect.scatter.add.f32 [tilespmem:s17], [sflag:$0x3], $0x10, s12, s12, $0xb8;
	[tilespmem:$0xF5F0] =	vst v63  }
.Ltmp5:
0xc7: {  	_ = 	snop;
	(pc) =	sbr.rel @!p3 .LBB2_4-.Ltmp5, $4  }
.Ltmp6:
0xc8: {  	_ = 	snop;
	(pc) =	sbr.rel @p3 .LBB2_10-.Ltmp6, $4  }
0xc9: {  	_ =	swait.ge [sflag:s10], $0x500  }
0xca: {  	[sflag:s10] =	ssyncset.done $0x0  }
0xcb: {  	[sflag:s10] =	ssyncadd.s32 $0xFFFFFB00  }
0xcc: {  	_ = 	snop  }
.LBB2_7:
0xcd: {  	s19 =	smul.u32 $0x50, s15;
	_ =	sdelay $0x1  }
0xce: {  	s19 =	sadd.s32 s8, s19  }
0xcf: {  	s19 =	sshrl.u32 s19, $0x3  }
0xd0: {  	s20 =	sadd.s32 s28, s19  }
0xd1: {  	[tilespmem:s18], [sflag:$0x3] =	stream.linear.gather [hbm4b:s20+s18], $0x50, $0x38;
	[tilespmem:$0xF5F0] =	vst v63  }
0xd2: {  	_ =	swait.ge [sflag:s10], $0x50  }
0xd3: {  	[sflag:s10] =	ssyncset.done $0x0  }
0xd4: {  	s19 =	sadd.s32 s29, s19;
	[sflag:s10] =	ssyncadd.s32 $0xFFFFFFB0  }
0xd5: {  	[tilespmem:s12], [sflag:$0x3] =	stream.linear.gather [hbm4b:s19+s18], $0x50, $0x38;
	[tilespmem:$0xF5F0] =	vst v63  }
0xd6: {  	_ =	swait.ge [sflag:s10], $0x50  }
0xd7: {  	[sflag:s10] =	ssyncset.done $0x0  }
0xd8: {  	[sflag:s10] =	ssyncadd.s32 $0xFFFFFFB0  }
0xd9: {  	[tilespmem:s9], [sflag:$0x1] =	stream.indirect.gather [hbm4b:s25+s12], $0x40, s18, s12, $0xb8;
	[tilespmem:$0xF5F0] =	vst v63  }
0xda: {  	_ = 	snop  }
0xdb: {  	[tilespmem:s13], [sflag:$0x2] =	stream.indirect.gather [hbm4b:s26+s12], $0x40, s12, s12, $0xb8;
	[tilespmem:$0xF5F0] =	vst v63  }
0xdc: {  	_ =	swait.ge [sflag:s14], $0x1400  }
0xdd: {  	[sflag:s14] =	ssyncset.done $0x0  }
0xde: {  	[sflag:s14] =	ssyncadd.s32 $0xFFFFEC00  }
0xdf: {  	_ =	swait.ge [sflag:s16], $0x1400  }
0xe0: {  	[sflag:s16] =	ssyncset.done $0x0  }
0xe1: {  	s19 =	simm.s32 $0x0;
	[sflag:s16] =	ssyncadd.s32 $0xFFFFEC00  }
0xe2: {  	v4 =	vld [tilespmem:s19+$0xA0]  }
0xe3: {  	v5 =	vld [tilespmem:s19+$0xB0]  }
0xe4: {  	v3 =	vld [tilespmem:s19+$0xC0]  }
0xe5: {  	v2 =	vld [tilespmem:s19+$0xD0]  }
0xe6: {  	v6 =	vld [tilespmem:s19+$0x14A0]  }
0xe7: {  	v8 =	vld [tilespmem:s19+$0x14B0]  }
0xe8: {  	s20 =	simm.s32 $0x100;
	v7 =	vld [tilespmem:s19+$0x14C0]  }
.LBB2_8:
0xe9: {  	p3 =	sne.s32 s20, $0x4F00;
	v9 =	vld [tilespmem:s19+$0x14D0]  }
0xea: {  	s21 =	sshra.s32 s20, $0x2  }
0xeb: {  	v6 =	vadd.f32 v6, v4;
	v4 =	vld [tilespmem:s21+$0xA0]  }
0xec: {  	v8 =	vadd.f32 v8, v5;
	v5 =	vld [tilespmem:s21+$0xB0]  }
.Ltmp7:
0xed: {  	v6 =	vmax.f32 v6, $0.0e+00;
	v7 =	vadd.f32 v7, v3;
	v3 =	vld [tilespmem:s21+$0xC0];
	(pc) =	sbr.rel @p3 .LBB2_8-.Ltmp7, $4  }
0xee: {  	[tilespmem:s19+$0x14A0] =	vst v6;
	v8 =	vmax.f32 v8, $0.0e+00;
	v9 =	vadd.f32 v9, v2;
	v2 =	vld [tilespmem:s21+$0xD0]  }
0xef: {  	v6 =	vld [tilespmem:s21+$0x14A0];
	[tilespmem:s19+$0x14B0] =	vst v8;
	v7 =	vmax.f32 v7, $0.0e+00  }
0xf0: {  	v8 =	vld [tilespmem:s21+$0x14B0];
	[tilespmem:s19+$0x14C0] =	vst v7;
	v9 =	vmax.f32 v9, $0.0e+00  }
0xf1: {  	s20 =	sadd.s32 $0x100, s20;
	v7 =	vld [tilespmem:s21+$0x14C0];
	[tilespmem:s19+$0x14D0] =	vst v9;
	s19 =	smov.u32 s21  }
0xf2: {  	v9 =	vld [tilespmem:s19+$0x14D0];
	_ =	sdelay $0x1  }
0xf3: {  	v4 =	vadd.f32 v6, v4  }
0xf4: {  	v5 =	vadd.f32 v8, v5  }
0xf5: {  	v4 =	vmax.f32 v4, $0.0e+00;
	v3 =	vadd.f32 v7, v3  }
0xf6: {  	[tilespmem:s19+$0x14A0] =	vst v4;
	v63 =	vmax.f32 v5, $0.0e+00;
	v2 =	vadd.f32 v9, v2  }
0xf7: {  	[tilespmem:s19+$0x14B0] =	vst v63;
	v3 =	vmax.f32 v3, $0.0e+00  }
0xf8: {  	s15 =	sadd.s32 $0x1, s15;
	[tilespmem:s19+$0x14C0] =	vst v3;
	v2 =	vmax.f32 v2, $0.0e+00  }
0xf9: {  	p3 =	sne.s32 s15, $0xFA;
	[tilespmem:s19+$0x14D0] =	vst v2  }
0xfa: {  	[spmem:s2] =	stream.indirect.scatter.add.f32 [tilespmem:s13], [sflag:$0x3], $0x40, s12, s12, $0xb8;
	[tilespmem:$0xF5F0] =	vst v63  }
.Ltmp8:
0xfb: {  	_ = 	snop;
	(pc) =	sbr.rel @p3 .LBB2_7-.Ltmp8, $4  }
.Ltmp9:
0xfc: {  	_ = 	snop;
	(pc) =	sbr.rel @!p3 .LBB2_10-.Ltmp9, $4  }
0xfd: {  	_ =	swait.ge [sflag:s10], $0x1400  }
0xfe: {  	[sflag:s10] =	ssyncset.done $0x0  }
0xff: {  	[sflag:s10] =	ssyncadd.s32 $0xFFFFEC00  }
0x100: {  	_ = 	snop  }
.LBB2_11:
0x101: {  	_ =	sfence.sel $0x180000  }
0x102: {  	[bflag:$0x0] =	sbarrier.arrive $0xFFFF  }
0x103: {  	_ =	strace $0x90000047  }
0x104: {  	s0 =	stileid.u32;
	[bflag:$0x2] =	sbarrier.arrive $0xFFFF  }
0x105: {  	p0 =	sne.s32 s0, $0x0;
	s0 =	rddreg [dreg:$0x4]  }
0x106: {  	s0 =	sadd.s32 @!p0 $0x100000, s0  }
0x107: {  	[sflag:s0] =	ssyncadd.tile.s32 @!p0 $0x1;
	_ =	shalt  }
.Lfunc_end2:
_tile_overlayer_lowered:
.L_overlay_start_2:
0x108: {  	(tag) =	ssettag $0x2  }
0x109: {  	s0 =	rddreg [dreg:$0x0];
	s2 =	stileid.u32  }
0x10a: {  	s1 =	rddreg [dreg:$0x1];
	p0 =	sne.s32 s2, $0x0  }
0x10b: {  	s3 =	rddreg [dreg:$0x2];
	[bflag:$0x3] =	sbarrier.arrive $0xFFFF;
	s2 =	simm.s32 @!p0 $0x1C03  }
0x10c: {  	[timem:s3], [sflag:s2] =	dma.local @!p0 [hbm:s0], s1  }
0x10d: {  	s0 =	simm.s32 @!p0 $0x3  }
0x10e: {  	_ =	swait.ge @!p0 [sflag:s0], s1  }
0x10f: {  	s1 =	ssub.s32 @!p0 $0x0, s1;
	[sflag:s0] =	ssyncset.done @!p0 $0x0  }
0x110: {  	[sflag:s0] =	ssyncadd.s32 @!p0 s1  }
0x111: {  	[bflag:$0x3] =	sbarrier.arrive $0xFFFF  }
0x112: {  	_ =	shalt  }

</sc_bundles>
